<compile_context>
chip_gen: v7x
topology: tpu7x:2x2x1
jax: 0.10.2.dev20260603
libtpu: 0.0.44.dev20260713+nightly
codegen_flags: <defaults>
</compile_context>

<pallas_src>
import functools

import jax
import jax.numpy as jnp
from jax import lax
from jax.experimental import pallas as pl
from jax.experimental.pallas import tpu as pltpu
from jax.experimental.pallas import tpu_sc as plsc

N = 10000
E = 320000
D = 128
G = 64
NW = 32
EPW = E // NW
CH = 125
NCH = EPW // CH
RPT = 640
RA = 632
RL = N - 15 * RA

_mesh = plsc.VectorSubcoreMesh(core_axis_name="c", subcore_axis_name="s")


@functools.partial(
    pl.kernel,
    mesh=_mesh,
    out_type=jax.ShapeDtypeStruct((2 * 16 * RPT,), jnp.float32),
    scratch_types=[
        pltpu.VMEM((NCH, CH), jnp.int32),
        pltpu.VMEM((RPT,), jnp.float32),
        pltpu.VMEM_SHARED((16 * RPT,), jnp.float32),
    ],
)
def _deg_sc(dst_hbm, out_hbm, idx_v, buf_v, acc_sh):
    c = lax.axis_index("c")
    s = lax.axis_index("s")
    wid = c * 16 + s

    def _fill(i, val):
        buf_v[pl.ds(i * 16, 16)] = jnp.full((16,), val, jnp.float32)

    drow0 = pl.multiple_of(s * RPT, 8)
    dorow0 = pl.multiple_of(c * 16 * RPT + s * RPT, 8)
    lax.fori_loop(0, RPT // 16, lambda i, _: (_fill(i, 0.0), 0)[1], 0)
    pltpu.sync_copy(buf_v, acc_sh.at[pl.ds(drow0, RPT)])
    lax.fori_loop(0, 8, lambda i, _: (_fill(i, 1.0), 0)[1], 0)
    pltpu.sync_copy(dst_hbm.at[wid], idx_v)
    plsc.subcore_barrier()

    def _body(j, _):
        pltpu.sync_copy(buf_v.at[pl.ds(0, CH)], acc_sh.at[idx_v.at[j]],
                        add=True)
        return 0

    lax.fori_loop(0, NCH, _body, 0)
    plsc.subcore_barrier()
    pltpu.sync_copy(acc_sh.at[pl.ds(drow0, RPT)],
                    out_hbm.at[pl.ds(dorow0, RPT)])


@functools.partial(
    pl.kernel,
    mesh=_mesh,
    out_type=jax.ShapeDtypeStruct((2 * N, D), jnp.float32),
    scratch_types=[
        pltpu.VMEM((2, CH), jnp.int32),
        pltpu.VMEM((2, CH), jnp.int32),
        pltpu.VMEM((2, CH), jnp.int32),
        pltpu.VMEM((2, CH), jnp.int32),
        pltpu.VMEM((CH, D), jnp.float32),
        pltpu.VMEM((CH, D), jnp.float32),
        pltpu.VMEM_SHARED((N, D), jnp.float32),
        pltpu.SemaphoreType.DMA,
        pltpu.SemaphoreType.DMA,
        pltpu.SemaphoreType.DMA,
        pltpu.SemaphoreType.DMA,
        pltpu.SemaphoreType.DMA,
        pltpu.SemaphoreType.DMA,
    ],
)
def _agg_sc(g_hbm, eidx_hbm, out_hbm, b0, b1, b2, b3, r0, r1,
            acc_sh, si0, si1, si2, si3, sr0, sr1):
    c = lax.axis_index("c")
    s = lax.axis_index("s")
    wid = c * 16 + s
    row0 = pl.multiple_of(s * RA, 8)
    orow0 = pl.multiple_of(c * N + s * RA, 8)
    bufs = (b0, b1, b2, b3)
    isems = (si0, si1, si2, si3)
    rows = (r0, r1)
    rsems = (sr0, sr1)

    def il(j, k):
        pltpu.async_copy(eidx_hbm.at[wid, j], bufs[k], isems[k])

    def wi(j, k):
        pltpu.make_async_copy(eidx_hbm.at[wid, j], bufs[k], isems[k]).wait()

    def ga(k, p):
        pltpu.async_copy(g_hbm.at[bufs[k].at[0]], rows[p], rsems[p])

    def wr(k, p):
        pltpu.make_async_copy(g_hbm.at[bufs[k].at[0]], rows[p],
                              rsems[p]).wait()

    def sc(k, p):
        pltpu.sync_copy(rows[p], acc_sh.at[bufs[k].at[1]], add=True)


    @pl.when(s < 15)
    def _():
        pltpu.sync_copy(g_hbm.at[pl.ds(row0, RA)], acc_sh.at[pl.ds(row0, RA)])

    @pl.when(s == 15)
    def _():
        pltpu.sync_copy(g_hbm.at[pl.ds(row0, RL)], acc_sh.at[pl.ds(row0, RL)])

    il(0, 0)
    il(1, 1)
    il(2, 2)
    il(3, 3)
    plsc.subcore_barrier()
    wi(0, 0)
    ga(0, 0)

    NB = NCH // 4

    def _body(bb, _):
        c0 = bb * 4
        last = bb >= NB - 1
        wi(c0 + 1, 1)
        ga(1, 1)
        wr(0, 0)
        sc(0, 0)

        @pl.when(~last)
        def _():
            il(c0 + 4, 0)

        wi(c0 + 2, 2)
        ga(2, 0)
        wr(1, 1)
        sc(1, 1)

        @pl.when(~last)
        def _():
            il(c0 + 5, 1)

        wi(c0 + 3, 3)
        ga(3, 1)
        wr(2, 0)
        sc(2, 0)

        @pl.when(~last)
        def _():
            il(c0 + 6, 2)
            wi(c0 + 4, 0)
            ga(0, 0)

        wr(3, 1)
        sc(3, 1)

        @pl.when(~last)
        def _():
            il(c0 + 7, 3)

        return 0

    lax.fori_loop(0, NB, _body, 0)
    plsc.subcore_barrier()

    @pl.when(s < 15)
    def _():
        pltpu.sync_copy(acc_sh.at[pl.ds(row0, RA)],
                        out_hbm.at[pl.ds(orow0, RA)])

    @pl.when(s == 15)
    def _():
        pltpu.sync_copy(acc_sh.at[pl.ds(row0, RL)],
                        out_hbm.at[pl.ds(orow0, RL)])


_BM = 2000


def _lin1_body(d0_ref, d1_ref, x_ref, w_ref, g_ref, dis_ref):
    deg = d0_ref[...] + d1_ref[...] + 1.0
    dis = lax.rsqrt(deg)
    hw = jnp.dot(x_ref[...], w_ref[...], preferred_element_type=jnp.float32)
    g_ref[...] = hw * dis
    dis_ref[...] = dis


def _lin2_body(p0_ref, p1_ref, g_ref, dis_ref, b_ref, w_ref, out_ref):
    dis = dis_ref[...]
    h = (p0_ref[...] + p1_ref[...] - g_ref[...]) * dis + b_ref[...]
    h = jnp.maximum(h, 0.0)
    out_ref[...] = jnp.dot(h, w_ref[...],
                           preferred_element_type=jnp.float32) * dis


def _pool_body(offs_ref, p0_ref, p1_ref, g_ref, dis_ref, b_ref, w_ref,
               bc_ref, out_ref, h_ref, pool_ref):
    h = (p0_ref[...] + p1_ref[...] - g_ref[...]) * dis_ref[...] + b_ref[...]
    h_ref[...] = jnp.maximum(h, 0.0)
    neg = jnp.float32(-jnp.inf)
    iota8 = lax.broadcasted_iota(jnp.int32, (8, 1), 0)

    def body(gi, _):
        s0 = offs_ref[gi]
        s1 = offs_ref[gi + 1]

        def inner(b, acc):
            ri = b * 8 + iota8
            m = (ri >= s0) & (ri < s1)
            rows = h_ref[pl.ds(b * 8, 8), :]
            return jnp.maximum(acc, jnp.where(m, rows, neg))

        acc = lax.fori_loop(s0 // 8, (s1 + 7) // 8,
                            inner, jnp.full((8, D), neg, jnp.float32))
        pool_ref[pl.ds(gi, 1), :] = jnp.max(acc, axis=0, keepdims=True)
        return 0

    lax.fori_loop(0, G, body, 0)
    out_ref[...] = jnp.dot(pool_ref[...], w_ref[...],
                           preferred_element_type=jnp.float32) + bc_ref[...]


def _row_blocked(width):
    return pl.BlockSpec((_BM, width), lambda i: (i, 0))


def _whole(shape):
    return pl.BlockSpec(shape, lambda *a: tuple(0 for _ in shape))


def kernel(x, edge_index, batch, W1, b1, W2, b2, W_iou, b_iou, W_iop, b_iop):
    src3 = edge_index[0].reshape(NW, NCH, CH)
    dst3 = edge_index[1].reshape(NW, NCH, CH)
    eidx = jnp.stack([src3, dst3], axis=2)

    degp = _deg_sc(dst3)
    deg0 = degp[0:N].reshape(N, 1)
    deg1 = degp[16 * RPT:16 * RPT + N].reshape(N, 1)

    grid = (N // _BM,)
    g1, dis = pl.pallas_call(
        _lin1_body,
        grid=grid,
        in_specs=[_row_blocked(1), _row_blocked(1), _row_blocked(D),
                  _whole((D, D))],
        out_specs=[_row_blocked(D), _row_blocked(1)],
        out_shape=[jax.ShapeDtypeStruct((N, D), jnp.float32),
                   jax.ShapeDtypeStruct((N, 1), jnp.float32)],
    )(deg0, deg1, x, W1)

    p = _agg_sc(g1, eidx)

    nb = N // _BM
    p_lo = pl.BlockSpec((_BM, D), lambda i: (i, 0))
    p_hi = pl.BlockSpec((_BM, D), lambda i: (i + nb, 0))
    g2 = pl.pallas_call(
        _lin2_body,
        grid=grid,
        in_specs=[p_lo, p_hi, _row_blocked(D),
                  _row_blocked(1), _whole((1, D)), _whole((D, D))],
        out_specs=_row_blocked(D),
        out_shape=jax.ShapeDtypeStruct((N, D), jnp.float32),
    )(p, p, g1, dis, b1.reshape(1, D), W2)

    p2 = _agg_sc(g2, eidx)

    w_cat = jnp.concatenate([W_iou, W_iop], axis=1)
    b_cat = jnp.concatenate([b_iou, b_iop]).reshape(1, 2)
    offs = jnp.searchsorted(batch, jnp.arange(G + 1, dtype=jnp.int32),
                            side="left").astype(jnp.int32)
    w_lo = pl.BlockSpec((N, D), lambda i: (0, 0))
    w_hi = pl.BlockSpec((N, D), lambda i: (1, 0))
    out = pl.pallas_call(
        _pool_body,
        grid=(1,),
        in_specs=[pl.BlockSpec(memory_space=pltpu.SMEM),
                  w_lo, w_hi, _whole((N, D)), _whole((N, 1)),
                  _whole((1, D)), _whole((D, 2)), _whole((1, 2))],
        out_specs=_whole((G, 2)),
        out_shape=jax.ShapeDtypeStruct((G, 2), jnp.float32),
        scratch_shapes=[pltpu.VMEM((N, D), jnp.float32),
                        pltpu.VMEM((G, D), jnp.float32)],
    )(offs, p2, p2, g2, dis, b2.reshape(1, D), w_cat, b_cat)
    return out

# --- scband reference (transcript-rebuilt; emitter-appended) ---
"""Pipeline reference for scband-gcn-2662879723612 (READ-ONLY COPY).

The authoritative reference and input builder live on the scoring server;
editing this copy changes nothing except your own understanding.
"""

import jax, jax.numpy as jnp
import numpy as np

N_NODES = 10000
N_EDGES = 320000
D_IN = 128
H1 = 128
H2 = 128
D_OUT = 1
N_GRAPHS = 64


def setup_inputs(seed: int = 0) -> dict:
    key = jax.random.key(seed)
    ks = jax.random.split(key, 12)
    x = jax.random.normal(ks[0], (N_NODES, D_IN), dtype=jnp.float32)
    edge_index = jax.random.randint(ks[1], (2, N_EDGES), 0, N_NODES, dtype=jnp.int32)
    batch = jnp.sort(jax.random.randint(ks[2], (N_NODES,), 0, N_GRAPHS, dtype=jnp.int32))
    W1 = jax.random.normal(ks[3], (D_IN, H1), dtype=jnp.float32) * (1.0 / np.sqrt(D_IN))
    b1 = jnp.zeros((H1,), dtype=jnp.float32)
    W2 = jax.random.normal(ks[4], (H1, H2), dtype=jnp.float32) * (1.0 / np.sqrt(H1))
    b2 = jnp.zeros((H2,), dtype=jnp.float32)
    W_iou = jax.random.normal(ks[5], (H2, D_OUT), dtype=jnp.float32) * (1.0 / np.sqrt(H2))
    b_iou = jnp.zeros((D_OUT,), dtype=jnp.float32)
    W_iop = jax.random.normal(ks[6], (H2, D_OUT), dtype=jnp.float32) * (1.0 / np.sqrt(H2))
    b_iop = jnp.zeros((D_OUT,), dtype=jnp.float32)
    return {"x": x, "edge_index": edge_index, "batch": batch,
            "W1": W1, "b1": b1, "W2": W2, "b2": b2,
            "W_iou": W_iou, "b_iou": b_iou, "W_iop": W_iop, "b_iop": b_iop}


def _gcn_conv(h, ei, W, b, n_nodes):
    # PyG GCNConv: out = D^{-1/2} (A+I) D^{-1/2} (h W) + b, self-loops already in ei
    src, dst = ei[0], ei[1]
    deg = jnp.zeros((n_nodes,), dtype=h.dtype).at[dst].add(1.0)
    deg_inv_sqrt = jnp.where(deg > 0, deg ** -0.5, 0.0)
    norm = deg_inv_sqrt[src] * deg_inv_sqrt[dst]
    hw = h @ W
    msg = hw[src] * norm[:, None]
    out = jnp.zeros((n_nodes, W.shape[1]), dtype=h.dtype).at[dst].add(msg)
    return out + b


def reference(x, edge_index, batch, W1, b1, W2, b2, W_iou, b_iou, W_iop, b_iop):
    n = x.shape[0]
    loops = jnp.arange(n, dtype=edge_index.dtype)
    ei = jnp.concatenate([edge_index, jnp.stack([loops, loops], axis=0)], axis=1)
    h = jax.nn.relu(_gcn_conv(x, ei, W1, b1, n))
    h = jax.nn.relu(_gcn_conv(h, ei, W2, b2, n))
    pooled = jax.ops.segment_max(h, batch, num_segments=N_GRAPHS)
    iou_score = pooled @ W_iou + b_iou
    iop_score = pooled @ W_iop + b_iop
    return jnp.concatenate([iou_score, iop_score], axis=1)

if __name__ == "__main__":
    import jax
    _d = setup_inputs()
    print(jax.jit(kernel)(*tuple(_d.values())))

</pallas_src>

<mosaic_0001>
#map = affine_map<(d0, d1) -> (0, 0, 0)>
#map1 = affine_map<(d0, d1) -> (0)>
module attributes {stable_mosaic.version = 14 : i64} {
  func.func @_deg_sc(%arg0: i32, %arg1: i32, %arg2: memref<32x80x125xi32, #tpu.memory_space<hbm>>, %arg3: memref<20480xf32, #tpu.memory_space<hbm>>, %arg4: memref<80x125xi32, #tpu.memory_space<vmem>>, %arg5: memref<640xf32, #tpu.memory_space<vmem>>, %arg6: memref<10240xf32, #tpu.memory_space<vmem_shared>>) attributes {dimension_semantics = [#tpu.dimension_semantics<core_parallel>, #tpu.dimension_semantics<subcore_parallel>], iteration_bounds = array<i64: 2, 16>, scalar_prefetch = 0 : i64, scratch_operands = 3 : i64, tpu.core_type = #tpu.core_type<sc_vector_subcore>, window_params = [{transform_indices = #map}, {transform_indices = #map1}]} {
    %mul3A = arith.constant 16 : i32
    %mul3A_0 = arith.muli %arg0, %mul3A : i32
    %add3A = arith.addi %mul3A_0, %arg1 : i32
    %mul3A_1 = arith.constant 640 : i32
    %mul3A_2 = arith.muli %arg1, %mul3A_1 : i32
    %multiple_of3A = tpu.assume_multiple %mul3A_2, 8 : i32
    %mul3A_3 = arith.constant 16 : i32
    %mul3A_4 = arith.muli %arg0, %mul3A_3 : i32
    %mul3A_5 = arith.constant 640 : i32
    %mul3A_6 = arith.muli %mul3A_4, %mul3A_5 : i32
    %mul3A_7 = arith.constant 640 : i32
    %mul3A_8 = arith.muli %arg1, %mul3A_7 : i32
    %add3A_9 = arith.addi %mul3A_6, %mul3A_8 : i32
    %multiple_of3A_10 = tpu.assume_multiple %add3A_9, 8 : i32
    %scan3A = arith.constant 0 : i32
    %scan3A_11 = arith.constant 0 : i32
    %scan3A_12 = arith.constant 40 : i32
    %scan3A_13 = arith.addi %scan3A_11, %scan3A_12 : i32
    %scan3A_14 = arith.constant 1 : i32
    %scan3A_15 = scf.for %scan3A_32 = %scan3A_11 to %scan3A_13 step %scan3A_14 iter_args(%scan3A_33 = %scan3A) -> (i32)  : i32 {
      %broadcast_in_dim3A = arith.constant 0.000000e+00 : f32
      %broadcast_in_dim3A_34 = vector.broadcast %broadcast_in_dim3A : f32 to vector<16xf32>
      %mul3A_35 = arith.constant 16 : i32
      %mul3A_36 = arith.muli %scan3A_32, %mul3A_35 : i32
      %swap3A = arith.index_cast %mul3A_36 : i32 to index
      %swap3A_37 = tpu.vector_load %arg5[%swap3A] {strides = array<i32>} : memref<640xf32, #tpu.memory_space<vmem>>, vector<16xf32>,
      %swap3A_38 = vector.shape_cast %swap3A_37 : vector<16xf32> to vector<16xf32>
      %swap3A_39 = vector.shape_cast %broadcast_in_dim3A_34 : vector<16xf32> to vector<16xf32>
      tpu.vector_store %arg5[%swap3A], %swap3A_39 {strides = array<i32>} : memref<640xf32, #tpu.memory_space<vmem>>, vector<16xf32>,
      %scan3A_40 = arith.constant 0 : i32
      scf.yield %scan3A_40 : i32
    }
    %scan3A_16 = arith.constant 40 : i32
    "tpu.region"() ({
      %run_scoped3A = tpu.sem_alloc : memref<!tpu.dma_semaphore, #tpu.memory_space<semaphore_mem>>
      %dma_start3A = tpu.memref_slice %arg6[%multiple_of3A] : memref<10240xf32, #tpu.memory_space<vmem_shared>> -> memref<640xf32, #tpu.memory_space<vmem_shared>>
      %dma_start3A_32 = tpu.memref_slice %arg6[%multiple_of3A] : memref<10240xf32, #tpu.memory_space<vmem_shared>> -> memref<640xf32, #tpu.memory_space<vmem_shared>>
      tpu.enqueue_dma source(%arg5 : memref<640xf32, #tpu.memory_space<vmem>>) target(%dma_start3A_32 : memref<640xf32, #tpu.memory_space<vmem_shared>>) target_semaphore(%run_scoped3A : memref<!tpu.dma_semaphore, #tpu.memory_space<semaphore_mem>>)
      %dma_wait3A = tpu.memref_slice %arg6[%multiple_of3A] : memref<10240xf32, #tpu.memory_space<vmem_shared>> -> memref<640xf32, #tpu.memory_space<vmem_shared>>
      %dma_wait3A_33 = tpu.memref_slice %arg6[%multiple_of3A] : memref<10240xf32, #tpu.memory_space<vmem_shared>> -> memref<640xf32, #tpu.memory_space<vmem_shared>>
      tpu.wait_dma2 semaphore(%run_scoped3A : memref<!tpu.dma_semaphore, #tpu.memory_space<semaphore_mem>>) src(%arg5 : memref<640xf32, #tpu.memory_space<vmem>>) dst(%dma_wait3A_33 : memref<640xf32, #tpu.memory_space<vmem_shared>>)
      tpu.yield
    }) : () -> ()
    %scan3A_17 = arith.constant 0 : i32
    %scan3A_18 = arith.constant 0 : i32
    %scan3A_19 = arith.constant 8 : i32
    %scan3A_20 = arith.addi %scan3A_18, %scan3A_19 : i32
    %scan3A_21 = arith.constant 1 : i32
    %scan3A_22 = scf.for %scan3A_32 = %scan3A_18 to %scan3A_20 step %scan3A_21 iter_args(%scan3A_33 = %scan3A_17) -> (i32)  : i32 {
      %broadcast_in_dim3A = arith.constant 1.000000e+00 : f32
      %broadcast_in_dim3A_34 = vector.broadcast %broadcast_in_dim3A : f32 to vector<16xf32>
      %mul3A_35 = arith.constant 16 : i32
      %mul3A_36 = arith.muli %scan3A_32, %mul3A_35 : i32
      %swap3A = arith.index_cast %mul3A_36 : i32 to index
      %swap3A_37 = tpu.vector_load %arg5[%swap3A] {strides = array<i32>} : memref<640xf32, #tpu.memory_space<vmem>>, vector<16xf32>,
      %swap3A_38 = vector.shape_cast %swap3A_37 : vector<16xf32> to vector<16xf32>
      %swap3A_39 = vector.shape_cast %broadcast_in_dim3A_34 : vector<16xf32> to vector<16xf32>
      tpu.vector_store %arg5[%swap3A], %swap3A_39 {strides = array<i32>} : memref<640xf32, #tpu.memory_space<vmem>>, vector<16xf32>,
      %scan3A_40 = arith.constant 0 : i32
      scf.yield %scan3A_40 : i32
    }
    %scan3A_23 = arith.constant 8 : i32
    "tpu.region"() ({
      %run_scoped3A = tpu.sem_alloc : memref<!tpu.dma_semaphore, #tpu.memory_space<semaphore_mem>>
      %dma_start3A = arith.constant 0 : i32
      %dma_start3A_32 = arith.constant 0 : i32
      %dma_start3A_33 = tpu.memref_slice %arg2[%add3A, %dma_start3A, %dma_start3A_32] : memref<32x80x125xi32, #tpu.memory_space<hbm>> -> memref<1x80x125xi32, #tpu.memory_space<hbm>>
      %dma_start3A_34 = tpu.memref_squeeze %dma_start3A_33 : memref<1x80x125xi32, #tpu.memory_space<hbm>> -> memref<80x125xi32, #tpu.memory_space<hbm>>
      %dma_start3A_35 = arith.constant 0 : i32
      %dma_start3A_36 = arith.constant 0 : i32
      %dma_start3A_37 = tpu.memref_slice %arg2[%add3A, %dma_start3A_35, %dma_start3A_36] : memref<32x80x125xi32, #tpu.memory_space<hbm>> -> memref<1x80x125xi32, #tpu.memory_space<hbm>>
      %dma_start3A_38 = tpu.memref_squeeze %dma_start3A_37 : memref<1x80x125xi32, #tpu.memory_space<hbm>> -> memref<80x125xi32, #tpu.memory_space<hbm>>
      tpu.enqueue_dma source(%dma_start3A_38 : memref<80x125xi32, #tpu.memory_space<hbm>>) target(%arg4 : memref<80x125xi32, #tpu.memory_space<vmem>>) target_semaphore(%run_scoped3A : memref<!tpu.dma_semaphore, #tpu.memory_space<semaphore_mem>>)
      %dma_wait3A = arith.constant 0 : i32
      %dma_wait3A_39 = arith.constant 0 : i32
      %dma_wait3A_40 = tpu.memref_slice %arg2[%add3A, %dma_wait3A, %dma_wait3A_39] : memref<32x80x125xi32, #tpu.memory_space<hbm>> -> memref<1x80x125xi32, #tpu.memory_space<hbm>>
      %dma_wait3A_41 = tpu.memref_squeeze %dma_wait3A_40 : memref<1x80x125xi32, #tpu.memory_space<hbm>> -> memref<80x125xi32, #tpu.memory_space<hbm>>
      %dma_wait3A_42 = arith.constant 0 : i32
      %dma_wait3A_43 = arith.constant 0 : i32
      %dma_wait3A_44 = tpu.memref_slice %arg2[%add3A, %dma_wait3A_42, %dma_wait3A_43] : memref<32x80x125xi32, #tpu.memory_space<hbm>> -> memref<1x80x125xi32, #tpu.memory_space<hbm>>
      %dma_wait3A_45 = tpu.memref_squeeze %dma_wait3A_44 : memref<1x80x125xi32, #tpu.memory_space<hbm>> -> memref<80x125xi32, #tpu.memory_space<hbm>>
      tpu.wait_dma2 semaphore(%run_scoped3A : memref<!tpu.dma_semaphore, #tpu.memory_space<semaphore_mem>>) src(%dma_wait3A_45 : memref<80x125xi32, #tpu.memory_space<hbm>>) dst(%arg4 : memref<80x125xi32, #tpu.memory_space<vmem>>)
      tpu.yield
    }) : () -> ()
    %barrier3A = arith.constant 0 : index
    tpu.barrier barrier_id(%barrier3A)
    %scan3A_24 = arith.constant 0 : i32
    %scan3A_25 = arith.constant 0 : i32
    %scan3A_26 = arith.constant 80 : i32
    %scan3A_27 = arith.addi %scan3A_25, %scan3A_26 : i32
    %scan3A_28 = arith.constant 1 : i32
    %scan3A_29 = scf.for %scan3A_32 = %scan3A_25 to %scan3A_27 step %scan3A_28 iter_args(%scan3A_33 = %scan3A_24) -> (i32)  : i32 {
      "tpu.region"() ({
        %run_scoped3A = tpu.sem_alloc : memref<!tpu.dma_semaphore, #tpu.memory_space<semaphore_mem>>
        %dma_start3A = arith.constant 0 : i32
        %dma_start3A_35 = tpu.memref_slice %arg5[%dma_start3A] : memref<640xf32, #tpu.memory_space<vmem>> -> memref<125xf32, #tpu.memory_space<vmem>>
        %dma_start3A_36 = arith.constant 0 : i32
        %dma_start3A_37 = tpu.memref_slice %arg4[%scan3A_32, %dma_start3A_36] : memref<80x125xi32, #tpu.memory_space<vmem>> -> memref<1x125xi32, #tpu.memory_space<vmem>>
        %dma_start3A_38 = tpu.memref_squeeze %dma_start3A_37 : memref<1x125xi32, #tpu.memory_space<vmem>> -> memref<125xi32, #tpu.memory_space<vmem>>
        %dma_start3A_39 = arith.constant 0 : i32
        %dma_start3A_40 = tpu.memref_slice %arg6[%dma_start3A_39] : memref<10240xf32, #tpu.memory_space<vmem_shared>> -> memref<10240xf32, #tpu.memory_space<vmem_shared>>
        tpu.enqueue_indirect_dma source(%dma_start3A_35 : memref<125xf32, #tpu.memory_space<vmem>>) target(%dma_start3A_40 : memref<10240xf32, #tpu.memory_space<vmem_shared>>) offsets(%dma_start3A_38 : memref<125xi32, #tpu.memory_space<vmem>>) semaphore(%run_scoped3A : memref<!tpu.dma_semaphore, #tpu.memory_space<semaphore_mem>>) {add = true}
        %dma_wait3A = arith.constant 0 : i32
        %dma_wait3A_41 = tpu.memref_slice %arg5[%dma_wait3A] : memref<640xf32, #tpu.memory_space<vmem>> -> memref<125xf32, #tpu.memory_space<vmem>>
        %dma_wait3A_42 = arith.constant 0 : i32
        %dma_wait3A_43 = tpu.memref_slice %arg4[%scan3A_32, %dma_wait3A_42] : memref<80x125xi32, #tpu.memory_space<vmem>> -> memref<1x125xi32, #tpu.memory_space<vmem>>
        %dma_wait3A_44 = tpu.memref_squeeze %dma_wait3A_43 : memref<1x125xi32, #tpu.memory_space<vmem>> -> memref<125xi32, #tpu.memory_space<vmem>>
        %dma_wait3A_45 = arith.constant 0 : i32
        %dma_wait3A_46 = tpu.memref_slice %arg6[%dma_wait3A_45] : memref<10240xf32, #tpu.memory_space<vmem_shared>> -> memref<10240xf32, #tpu.memory_space<vmem_shared>>
        tpu.wait_indirect_dma semaphore(%run_scoped3A : memref<!tpu.dma_semaphore, #tpu.memory_space<semaphore_mem>>) src(%dma_wait3A_41 : memref<125xf32, #tpu.memory_space<vmem>>) dst(%dma_wait3A_46 : memref<10240xf32, #tpu.memory_space<vmem_shared>>)
        tpu.yield
      }) : () -> ()
      %scan3A_34 = arith.constant 0 : i32
      scf.yield %scan3A_34 : i32
    }
    %scan3A_30 = arith.constant 80 : i32
    %barrier3A_31 = arith.constant 0 : index
    tpu.barrier barrier_id(%barrier3A_31)
    "tpu.region"() ({
      %run_scoped3A = tpu.sem_alloc : memref<!tpu.dma_semaphore, #tpu.memory_space<semaphore_mem>>
      %dma_start3A = tpu.memref_slice %arg3[%multiple_of3A_10] : memref<20480xf32, #tpu.memory_space<hbm>> -> memref<640xf32, #tpu.memory_space<hbm>>
      %dma_start3A_32 = tpu.memref_slice %arg6[%multiple_of3A] : memref<10240xf32, #tpu.memory_space<vmem_shared>> -> memref<640xf32, #tpu.memory_space<vmem_shared>>
      tpu.enqueue_dma source(%dma_start3A_32 : memref<640xf32, #tpu.memory_space<vmem_shared>>) target(%dma_start3A : memref<640xf32, #tpu.memory_space<hbm>>) target_semaphore(%run_scoped3A : memref<!tpu.dma_semaphore, #tpu.memory_space<semaphore_mem>>)
      %dma_wait3A = tpu.memref_slice %arg3[%multiple_of3A_10] : memref<20480xf32, #tpu.memory_space<hbm>> -> memref<640xf32, #tpu.memory_space<hbm>>
      %dma_wait3A_33 = tpu.memref_slice %arg6[%multiple_of3A] : memref<10240xf32, #tpu.memory_space<vmem_shared>> -> memref<640xf32, #tpu.memory_space<vmem_shared>>
      tpu.wait_dma2 semaphore(%run_scoped3A : memref<!tpu.dma_semaphore, #tpu.memory_space<semaphore_mem>>) src(%dma_wait3A_33 : memref<640xf32, #tpu.memory_space<vmem_shared>>) dst(%dma_wait3A : memref<640xf32, #tpu.memory_space<hbm>>)
      tpu.yield
    }) : () -> ()
    return
  }
}

#map = affine_map<(d0, d1) -> (0, 0)>
#map1 = affine_map<(d0, d1) -> (0, 0, 0, 0)>
module attributes {stable_mosaic.version = 14 : i64} {
  func.func @_agg_sc(%arg0: i32, %arg1: i32, %arg2: memref<10000x128xf32, #tpu.memory_space<hbm>>, %arg3: memref<32x80x2x125xi32, #tpu.memory_space<hbm>>, %arg4: memref<20000x128xf32, #tpu.memory_space<hbm>>, %arg5: memref<2x125xi32, #tpu.memory_space<vmem>>, %arg6: memref<2x125xi32, #tpu.memory_space<vmem>>, %arg7: memref<2x125xi32, #tpu.memory_space<vmem>>, %arg8: memref<2x125xi32, #tpu.memory_space<vmem>>, %arg9: memref<125x128xf32, #tpu.memory_space<vmem>>, %arg10: memref<125x128xf32, #tpu.memory_space<vmem>>, %arg11: memref<10000x128xf32, #tpu.memory_space<vmem_shared>>, %arg12: memref<!tpu.dma_semaphore, #tpu.memory_space<semaphore_mem>>, %arg13: memref<!tpu.dma_semaphore, #tpu.memory_space<semaphore_mem>>, %arg14: memref<!tpu.dma_semaphore, #tpu.memory_space<semaphore_mem>>, %arg15: memref<!tpu.dma_semaphore, #tpu.memory_space<semaphore_mem>>, %arg16: memref<!tpu.dma_semaphore, #tpu.memory_space<semaphore_mem>>, %arg17: memref<!tpu.dma_semaphore, #tpu.memory_space<semaphore_mem>>) attributes {dimension_semantics = [#tpu.dimension_semantics<core_parallel>, #tpu.dimension_semantics<subcore_parallel>], iteration_bounds = array<i64: 2, 16>, scalar_prefetch = 0 : i64, scratch_operands = 13 : i64, tpu.core_type = #tpu.core_type<sc_vector_subcore>, window_params = [{transform_indices = #map}, {transform_indices = #map1}, {transform_indices = #map}]} {
    %mul3A = arith.constant 16 : i32
    %mul3A_0 = arith.muli %arg0, %mul3A : i32
    %add3A = arith.addi %mul3A_0, %arg1 : i32
    %mul3A_1 = arith.constant 632 : i32
    %mul3A_2 = arith.muli %arg1, %mul3A_1 : i32
    %multiple_of3A = tpu.assume_multiple %mul3A_2, 8 : i32
    %mul3A_3 = arith.constant 10000 : i32
    %mul3A_4 = arith.muli %arg0, %mul3A_3 : i32
    %mul3A_5 = arith.constant 632 : i32
    %mul3A_6 = arith.muli %arg1, %mul3A_5 : i32
    %add3A_7 = arith.addi %mul3A_4, %mul3A_6 : i32
    %multiple_of3A_8 = tpu.assume_multiple %add3A_7, 8 : i32
    %lt3A = arith.constant 15 : i32
    %lt3A_9 = arith.cmpi slt, %arg1, %lt3A : i32
    %convert_element_type3A = arith.extui %lt3A_9 : i1 to i32
    %cond3A = arith.constant 0 : i32
    %cond3A_10 = arith.cmpi ne, %convert_element_type3A, %cond3A : i32
    scf.if %cond3A_10 {
      "tpu.region"() ({
        %run_scoped3A = tpu.sem_alloc : memref<!tpu.dma_semaphore, #tpu.memory_space<semaphore_mem>>
        %dma_start3A_82 = arith.constant 0 : i32
        %dma_start3A_83 = tpu.memref_slice %arg11[%multiple_of3A, %dma_start3A_82] : memref<10000x128xf32, #tpu.memory_space<vmem_shared>> -> memref<632x128xf32, #tpu.memory_space<vmem_shared>>
        %dma_start3A_84 = arith.constant 0 : i32
        %dma_start3A_85 = tpu.memref_slice %arg2[%multiple_of3A, %dma_start3A_84] : memref<10000x128xf32, #tpu.memory_space<hbm>> -> memref<632x128xf32, #tpu.memory_space<hbm>>
        tpu.enqueue_dma source(%dma_start3A_85 : memref<632x128xf32, #tpu.memory_space<hbm>>) target(%dma_start3A_83 : memref<632x128xf32, #tpu.memory_space<vmem_shared>>) target_semaphore(%run_scoped3A : memref<!tpu.dma_semaphore, #tpu.memory_space<semaphore_mem>>)
        %dma_wait3A_86 = arith.constant 0 : i32
        %dma_wait3A_87 = tpu.memref_slice %arg11[%multiple_of3A, %dma_wait3A_86] : memref<10000x128xf32, #tpu.memory_space<vmem_shared>> -> memref<632x128xf32, #tpu.memory_space<vmem_shared>>
        %dma_wait3A_88 = arith.constant 0 : i32
        %dma_wait3A_89 = tpu.memref_slice %arg2[%multiple_of3A, %dma_wait3A_88] : memref<10000x128xf32, #tpu.memory_space<hbm>> -> memref<632x128xf32, #tpu.memory_space<hbm>>
        tpu.wait_dma2 semaphore(%run_scoped3A : memref<!tpu.dma_semaphore, #tpu.memory_space<semaphore_mem>>) src(%dma_wait3A_89 : memref<632x128xf32, #tpu.memory_space<hbm>>) dst(%dma_wait3A_87 : memref<632x128xf32, #tpu.memory_space<vmem_shared>>)
        tpu.yield
      }) : () -> ()
    } else {
    }
    %eq3A = arith.constant 15 : i32
    %eq3A_11 = arith.cmpi eq, %arg1, %eq3A : i32
    %convert_element_type3A_12 = arith.extui %eq3A_11 : i1 to i32
    %cond3A_13 = arith.constant 0 : i32
    %cond3A_14 = arith.cmpi ne, %convert_element_type3A_12, %cond3A_13 : i32
    scf.if %cond3A_14 {
      "tpu.region"() ({
        %run_scoped3A = tpu.sem_alloc : memref<!tpu.dma_semaphore, #tpu.memory_space<semaphore_mem>>
        %dma_start3A_82 = arith.constant 0 : i32
        %dma_start3A_83 = tpu.memref_slice %arg11[%multiple_of3A, %dma_start3A_82] : memref<10000x128xf32, #tpu.memory_space<vmem_shared>> -> memref<520x128xf32, #tpu.memory_space<vmem_shared>>
        %dma_start3A_84 = arith.constant 0 : i32
        %dma_start3A_85 = tpu.memref_slice %arg2[%multiple_of3A, %dma_start3A_84] : memref<10000x128xf32, #tpu.memory_space<hbm>> -> memref<520x128xf32, #tpu.memory_space<hbm>>
        tpu.enqueue_dma source(%dma_start3A_85 : memref<520x128xf32, #tpu.memory_space<hbm>>) target(%dma_start3A_83 : memref<520x128xf32, #tpu.memory_space<vmem_shared>>) target_semaphore(%run_scoped3A : memref<!tpu.dma_semaphore, #tpu.memory_space<semaphore_mem>>)
        %dma_wait3A_86 = arith.constant 0 : i32
        %dma_wait3A_87 = tpu.memref_slice %arg11[%multiple_of3A, %dma_wait3A_86] : memref<10000x128xf32, #tpu.memory_space<vmem_shared>> -> memref<520x128xf32, #tpu.memory_space<vmem_shared>>
        %dma_wait3A_88 = arith.constant 0 : i32
        %dma_wait3A_89 = tpu.memref_slice %arg2[%multiple_of3A, %dma_wait3A_88] : memref<10000x128xf32, #tpu.memory_space<hbm>> -> memref<520x128xf32, #tpu.memory_space<hbm>>
        tpu.wait_dma2 semaphore(%run_scoped3A : memref<!tpu.dma_semaphore, #tpu.memory_space<semaphore_mem>>) src(%dma_wait3A_89 : memref<520x128xf32, #tpu.memory_space<hbm>>) dst(%dma_wait3A_87 : memref<520x128xf32, #tpu.memory_space<vmem_shared>>)
        tpu.yield
      }) : () -> ()
    } else {
    }
    %dma_start3A = arith.constant 0 : i32
    %dma_start3A_15 = arith.constant 0 : i32
    %dma_start3A_16 = arith.constant 0 : i32
    %dma_start3A_17 = tpu.memref_slice %arg3[%add3A, %dma_start3A, %dma_start3A_15, %dma_start3A_16] : memref<32x80x2x125xi32, #tpu.memory_space<hbm>> -> memref<1x1x2x125xi32, #tpu.memory_space<hbm>>
    %dma_start3A_18 = tpu.memref_squeeze %dma_start3A_17 : memref<1x1x2x125xi32, #tpu.memory_space<hbm>> -> memref<2x125xi32, #tpu.memory_space<hbm>>
    %dma_start3A_19 = arith.constant 0 : i32
    %dma_start3A_20 = arith.constant 0 : i32
    %dma_start3A_21 = tpu.memref_slice %arg3[%add3A, %dma_start3A, %dma_start3A_19, %dma_start3A_20] : memref<32x80x2x125xi32, #tpu.memory_space<hbm>> -> memref<1x1x2x125xi32, #tpu.memory_space<hbm>>
    %dma_start3A_22 = tpu.memref_squeeze %dma_start3A_21 : memref<1x1x2x125xi32, #tpu.memory_space<hbm>> -> memref<2x125xi32, #tpu.memory_space<hbm>>
    tpu.enqueue_dma source(%dma_start3A_22 : memref<2x125xi32, #tpu.memory_space<hbm>>) target(%arg5 : memref<2x125xi32, #tpu.memory_space<vmem>>) target_semaphore(%arg12 : memref<!tpu.dma_semaphore, #tpu.memory_space<semaphore_mem>>)
    %dma_start3A_23 = arith.constant 1 : i32
    %dma_start3A_24 = arith.constant 0 : i32
    %dma_start3A_25 = arith.constant 0 : i32
    %dma_start3A_26 = tpu.memref_slice %arg3[%add3A, %dma_start3A_23, %dma_start3A_24, %dma_start3A_25] : memref<32x80x2x125xi32, #tpu.memory_space<hbm>> -> memref<1x1x2x125xi32, #tpu.memory_space<hbm>>
    %dma_start3A_27 = tpu.memref_squeeze %dma_start3A_26 : memref<1x1x2x125xi32, #tpu.memory_space<hbm>> -> memref<2x125xi32, #tpu.memory_space<hbm>>
    %dma_start3A_28 = arith.constant 0 : i32
    %dma_start3A_29 = arith.constant 0 : i32
    %dma_start3A_30 = tpu.memref_slice %arg3[%add3A, %dma_start3A_23, %dma_start3A_28, %dma_start3A_29] : memref<32x80x2x125xi32, #tpu.memory_space<hbm>> -> memref<1x1x2x125xi32, #tpu.memory_space<hbm>>
    %dma_start3A_31 = tpu.memref_squeeze %dma_start3A_30 : memref<1x1x2x125xi32, #tpu.memory_space<hbm>> -> memref<2x125xi32, #tpu.memory_space<hbm>>
    tpu.enqueue_dma source(%dma_start3A_31 : memref<2x125xi32, #tpu.memory_space<hbm>>) target(%arg6 : memref<2x125xi32, #tpu.memory_space<vmem>>) target_semaphore(%arg13 : memref<!tpu.dma_semaphore, #tpu.memory_space<semaphore_mem>>)
    %dma_start3A_32 = arith.constant 2 : i32
    %dma_start3A_33 = arith.constant 0 : i32
    %dma_start3A_34 = arith.constant 0 : i32
    %dma_start3A_35 = tpu.memref_slice %arg3[%add3A, %dma_start3A_32, %dma_start3A_33, %dma_start3A_34] : memref<32x80x2x125xi32, #tpu.memory_space<hbm>> -> memref<1x1x2x125xi32, #tpu.memory_space<hbm>>
    %dma_start3A_36 = tpu.memref_squeeze %dma_start3A_35 : memref<1x1x2x125xi32, #tpu.memory_space<hbm>> -> memref<2x125xi32, #tpu.memory_space<hbm>>
    %dma_start3A_37 = arith.constant 0 : i32
    %dma_start3A_38 = arith.constant 0 : i32
    %dma_start3A_39 = tpu.memref_slice %arg3[%add3A, %dma_start3A_32, %dma_start3A_37, %dma_start3A_38] : memref<32x80x2x125xi32, #tpu.memory_space<hbm>> -> memref<1x1x2x125xi32, #tpu.memory_space<hbm>>
    %dma_start3A_40 = tpu.memref_squeeze %dma_start3A_39 : memref<1x1x2x125xi32, #tpu.memory_space<hbm>> -> memref<2x125xi32, #tpu.memory_space<hbm>>
    tpu.enqueue_dma source(%dma_start3A_40 : memref<2x125xi32, #tpu.memory_space<hbm>>) target(%arg7 : memref<2x125xi32, #tpu.memory_space<vmem>>) target_semaphore(%arg14 : memref<!tpu.dma_semaphore, #tpu.memory_space<semaphore_mem>>)
    %dma_start3A_41 = arith.constant 3 : i32
    %dma_start3A_42 = arith.constant 0 : i32
    %dma_start3A_43 = arith.constant 0 : i32
    %dma_start3A_44 = tpu.memref_slice %arg3[%add3A, %dma_start3A_41, %dma_start3A_42, %dma_start3A_43] : memref<32x80x2x125xi32, #tpu.memory_space<hbm>> -> memref<1x1x2x125xi32, #tpu.memory_space<hbm>>
    %dma_start3A_45 = tpu.memref_squeeze %dma_start3A_44 : memref<1x1x2x125xi32, #tpu.memory_space<hbm>> -> memref<2x125xi32, #tpu.memory_space<hbm>>
    %dma_start3A_46 = arith.constant 0 : i32
    %dma_start3A_47 = arith.constant 0 : i32
    %dma_start3A_48 = tpu.memref_slice %arg3[%add3A, %dma_start3A_41, %dma_start3A_46, %dma_start3A_47] : memref<32x80x2x125xi32, #tpu.memory_space<hbm>> -> memref<1x1x2x125xi32, #tpu.memory_space<hbm>>
    %dma_start3A_49 = tpu.memref_squeeze %dma_start3A_48 : memref<1x1x2x125xi32, #tpu.memory_space<hbm>> -> memref<2x125xi32, #tpu.memory_space<hbm>>
    tpu.enqueue_dma source(%dma_start3A_49 : memref<2x125xi32, #tpu.memory_space<hbm>>) target(%arg8 : memref<2x125xi32, #tpu.memory_space<vmem>>) target_semaphore(%arg15 : memref<!tpu.dma_semaphore, #tpu.memory_space<semaphore_mem>>)
    %barrier3A = arith.constant 0 : index
    tpu.barrier barrier_id(%barrier3A)
    %dma_wait3A = arith.constant 0 : i32
    %dma_wait3A_50 = arith.constant 0 : i32
    %dma_wait3A_51 = arith.constant 0 : i32
    %dma_wait3A_52 = tpu.memref_slice %arg3[%add3A, %dma_wait3A, %dma_wait3A_50, %dma_wait3A_51] : memref<32x80x2x125xi32, #tpu.memory_space<hbm>> -> memref<1x1x2x125xi32, #tpu.memory_space<hbm>>
    %dma_wait3A_53 = tpu.memref_squeeze %dma_wait3A_52 : memref<1x1x2x125xi32, #tpu.memory_space<hbm>> -> memref<2x125xi32, #tpu.memory_space<hbm>>
    %dma_wait3A_54 = arith.constant 0 : i32
    %dma_wait3A_55 = arith.constant 0 : i32
    %dma_wait3A_56 = tpu.memref_slice %arg3[%add3A, %dma_wait3A, %dma_wait3A_54, %dma_wait3A_55] : memref<32x80x2x125xi32, #tpu.memory_space<hbm>> -> memref<1x1x2x125xi32, #tpu.memory_space<hbm>>
    %dma_wait3A_57 = tpu.memref_squeeze %dma_wait3A_56 : memref<1x1x2x125xi32, #tpu.memory_space<hbm>> -> memref<2x125xi32, #tpu.memory_space<hbm>>
    tpu.wait_dma2 semaphore(%arg12 : memref<!tpu.dma_semaphore, #tpu.memory_space<semaphore_mem>>) src(%dma_wait3A_57 : memref<2x125xi32, #tpu.memory_space<hbm>>) dst(%arg5 : memref<2x125xi32, #tpu.memory_space<vmem>>)
    %dma_start3A_58 = arith.constant 0 : i32
    %dma_start3A_59 = arith.constant 0 : i32
    %dma_start3A_60 = tpu.memref_slice %arg5[%dma_start3A_58, %dma_start3A_59] : memref<2x125xi32, #tpu.memory_space<vmem>> -> memref<1x125xi32, #tpu.memory_space<vmem>>
    %dma_start3A_61 = tpu.memref_squeeze %dma_start3A_60 : memref<1x125xi32, #tpu.memory_space<vmem>> -> memref<125xi32, #tpu.memory_space<vmem>>
    %dma_start3A_62 = arith.constant 0 : i32
    %dma_start3A_63 = arith.constant 0 : i32
    %dma_start3A_64 = tpu.memref_slice %arg2[%dma_start3A_62, %dma_start3A_63] : memref<10000x128xf32, #tpu.memory_space<hbm>> -> memref<10000x128xf32, #tpu.memory_space<hbm>>
    tpu.enqueue_indirect_dma source(%dma_start3A_64 : memref<10000x128xf32, #tpu.memory_space<hbm>>) target(%arg9 : memref<125x128xf32, #tpu.memory_space<vmem>>) offsets(%dma_start3A_61 : memref<125xi32, #tpu.memory_space<vmem>>) semaphore(%arg16 : memref<!tpu.dma_semaphore, #tpu.memory_space<semaphore_mem>>)
    %scan3A = arith.constant 0 : i32
    %scan3A_65 = arith.constant 0 : i32
    %scan3A_66 = arith.constant 20 : i32
    %scan3A_67 = arith.addi %scan3A_65, %scan3A_66 : i32
    %scan3A_68 = arith.constant 1 : i32
    %scan3A_69 = scf.for %scan3A_82 = %scan3A_65 to %scan3A_67 step %scan3A_68 iter_args(%scan3A_83 = %scan3A) -> (i32)  : i32 {
      %mul3A_84 = arith.constant 4 : i32
      %mul3A_85 = arith.muli %scan3A_82, %mul3A_84 : i32
      %ge3A = arith.constant 19 : i32
      %ge3A_86 = arith.cmpi sge, %scan3A_82, %ge3A : i32
      %add3A_87 = arith.constant 1 : i32
      %add3A_88 = arith.addi %mul3A_85, %add3A_87 : i32
      %dma_wait3A_89 = arith.constant 0 : i32
      %dma_wait3A_90 = arith.constant 0 : i32
      %dma_wait3A_91 = tpu.memref_slice %arg3[%add3A, %add3A_88, %dma_wait3A_89, %dma_wait3A_90] : memref<32x80x2x125xi32, #tpu.memory_space<hbm>> -> memref<1x1x2x125xi32, #tpu.memory_space<hbm>>
      %dma_wait3A_92 = tpu.memref_squeeze %dma_wait3A_91 : memref<1x1x2x125xi32, #tpu.memory_space<hbm>> -> memref<2x125xi32, #tpu.memory_space<hbm>>
      %dma_wait3A_93 = arith.constant 0 : i32
      %dma_wait3A_94 = arith.constant 0 : i32
      %dma_wait3A_95 = tpu.memref_slice %arg3[%add3A, %add3A_88, %dma_wait3A_93, %dma_wait3A_94] : memref<32x80x2x125xi32, #tpu.memory_space<hbm>> -> memref<1x1x2x125xi32, #tpu.memory_space<hbm>>
      %dma_wait3A_96 = tpu.memref_squeeze %dma_wait3A_95 : memref<1x1x2x125xi32, #tpu.memory_space<hbm>> -> memref<2x125xi32, #tpu.memory_space<hbm>>
      tpu.wait_dma2 semaphore(%arg13 : memref<!tpu.dma_semaphore, #tpu.memory_space<semaphore_mem>>) src(%dma_wait3A_96 : memref<2x125xi32, #tpu.memory_space<hbm>>) dst(%arg6 : memref<2x125xi32, #tpu.memory_space<vmem>>)
      %dma_start3A_97 = arith.constant 0 : i32
      %dma_start3A_98 = arith.constant 0 : i32
      %dma_start3A_99 = tpu.memref_slice %arg6[%dma_start3A_97, %dma_start3A_98] : memref<2x125xi32, #tpu.memory_space<vmem>> -> memref<1x125xi32, #tpu.memory_space<vmem>>
      %dma_start3A_100 = tpu.memref_squeeze %dma_start3A_99 : memref<1x125xi32, #tpu.memory_space<vmem>> -> memref<125xi32, #tpu.memory_space<vmem>>
      %dma_start3A_101 = arith.constant 0 : i32
      %dma_start3A_102 = arith.constant 0 : i32
      %dma_start3A_103 = tpu.memref_slice %arg2[%dma_start3A_101, %dma_start3A_102] : memref<10000x128xf32, #tpu.memory_space<hbm>> -> memref<10000x128xf32, #tpu.memory_space<hbm>>
      tpu.enqueue_indirect_dma source(%dma_start3A_103 : memref<10000x128xf32, #tpu.memory_space<hbm>>) target(%arg10 : memref<125x128xf32, #tpu.memory_space<vmem>>) offsets(%dma_start3A_100 : memref<125xi32, #tpu.memory_space<vmem>>) semaphore(%arg17 : memref<!tpu.dma_semaphore, #tpu.memory_space<semaphore_mem>>)
      %dma_wait3A_104 = arith.constant 0 : i32
      %dma_wait3A_105 = arith.constant 0 : i32
      %dma_wait3A_106 = tpu.memref_slice %arg5[%dma_wait3A_104, %dma_wait3A_105] : memref<2x125xi32, #tpu.memory_space<vmem>> -> memref<1x125xi32, #tpu.memory_space<vmem>>
      %dma_wait3A_107 = tpu.memref_squeeze %dma_wait3A_106 : memref<1x125xi32, #tpu.memory_space<vmem>> -> memref<125xi32, #tpu.memory_space<vmem>>
      %dma_wait3A_108 = arith.constant 0 : i32
      %dma_wait3A_109 = arith.constant 0 : i32
      %dma_wait3A_110 = tpu.memref_slice %arg2[%dma_wait3A_108, %dma_wait3A_109] : memref<10000x128xf32, #tpu.memory_space<hbm>> -> memref<10000x128xf32, #tpu.memory_space<hbm>>
      tpu.wait_indirect_dma semaphore(%arg16 : memref<!tpu.dma_semaphore, #tpu.memory_space<semaphore_mem>>) src(%dma_wait3A_110 : memref<10000x128xf32, #tpu.memory_space<hbm>>) dst(%arg9 : memref<125x128xf32, #tpu.memory_space<vmem>>)
      %run_scoped3A = arith.constant 1 : i32
      "tpu.region"() ({
        %run_scoped3A_189 = tpu.sem_alloc : memref<!tpu.dma_semaphore, #tpu.memory_space<semaphore_mem>>
        %dma_start3A_190 = arith.constant 0 : i32
        %dma_start3A_191 = tpu.memref_slice %arg5[%run_scoped3A, %dma_start3A_190] : memref<2x125xi32, #tpu.memory_space<vmem>> -> memref<1x125xi32, #tpu.memory_space<vmem>>
        %dma_start3A_192 = tpu.memref_squeeze %dma_start3A_191 : memref<1x125xi32, #tpu.memory_space<vmem>> -> memref<125xi32, #tpu.memory_space<vmem>>
        %dma_start3A_193 = arith.constant 0 : i32
        %dma_start3A_194 = arith.constant 0 : i32
        %dma_start3A_195 = tpu.memref_slice %arg11[%dma_start3A_193, %dma_start3A_194] : memref<10000x128xf32, #tpu.memory_space<vmem_shared>> -> memref<10000x128xf32, #tpu.memory_space<vmem_shared>>
        tpu.enqueue_indirect_dma source(%arg9 : memref<125x128xf32, #tpu.memory_space<vmem>>) target(%dma_start3A_195 : memref<10000x128xf32, #tpu.memory_space<vmem_shared>>) offsets(%dma_start3A_192 : memref<125xi32, #tpu.memory_space<vmem>>) semaphore(%run_scoped3A_189 : memref<!tpu.dma_semaphore, #tpu.memory_space<semaphore_mem>>) {add = true}
        %dma_wait3A_196 = arith.constant 0 : i32
        %dma_wait3A_197 = tpu.memref_slice %arg5[%run_scoped3A, %dma_wait3A_196] : memref<2x125xi32, #tpu.memory_space<vmem>> -> memref<1x125xi32, #tpu.memory_space<vmem>>
        %dma_wait3A_198 = tpu.memref_squeeze %dma_wait3A_197 : memref<1x125xi32, #tpu.memory_space<vmem>> -> memref<125xi32, #tpu.memory_space<vmem>>
        %dma_wait3A_199 = arith.constant 0 : i32
        %dma_wait3A_200 = arith.constant 0 : i32
        %dma_wait3A_201 = tpu.memref_slice %arg11[%dma_wait3A_199, %dma_wait3A_200] : memref<10000x128xf32, #tpu.memory_space<vmem_shared>> -> memref<10000x128xf32, #tpu.memory_space<vmem_shared>>
        tpu.wait_indirect_dma semaphore(%run_scoped3A_189 : memref<!tpu.dma_semaphore, #tpu.memory_space<semaphore_mem>>) src(%arg9 : memref<125x128xf32, #tpu.memory_space<vmem>>) dst(%dma_wait3A_201 : memref<10000x128xf32, #tpu.memory_space<vmem_shared>>)
        tpu.yield
      }) : () -> ()
      %not3A = arith.constant true
      %not3A_111 = arith.xori %ge3A_86, %not3A : i1
      %convert_element_type3A_112 = arith.extui %not3A_111 : i1 to i32
      %cond3A_113 = arith.constant 0 : i32
      %cond3A_114 = arith.cmpi ne, %convert_element_type3A_112, %cond3A_113 : i32
      scf.if %cond3A_114 {
        %add3A_189 = arith.constant 4 : i32
        %add3A_190 = arith.addi %mul3A_85, %add3A_189 : i32
        %dma_start3A_191 = arith.constant 0 : i32
        %dma_start3A_192 = arith.constant 0 : i32
        %dma_start3A_193 = tpu.memref_slice %arg3[%add3A, %add3A_190, %dma_start3A_191, %dma_start3A_192] : memref<32x80x2x125xi32, #tpu.memory_space<hbm>> -> memref<1x1x2x125xi32, #tpu.memory_space<hbm>>
        %dma_start3A_194 = tpu.memref_squeeze %dma_start3A_193 : memref<1x1x2x125xi32, #tpu.memory_space<hbm>> -> memref<2x125xi32, #tpu.memory_space<hbm>>
        %dma_start3A_195 = arith.constant 0 : i32
        %dma_start3A_196 = arith.constant 0 : i32
        %dma_start3A_197 = tpu.memref_slice %arg3[%add3A, %add3A_190, %dma_start3A_195, %dma_start3A_196] : memref<32x80x2x125xi32, #tpu.memory_space<hbm>> -> memref<1x1x2x125xi32, #tpu.memory_space<hbm>>
        %dma_start3A_198 = tpu.memref_squeeze %dma_start3A_197 : memref<1x1x2x125xi32, #tpu.memory_space<hbm>> -> memref<2x125xi32, #tpu.memory_space<hbm>>
        tpu.enqueue_dma source(%dma_start3A_198 : memref<2x125xi32, #tpu.memory_space<hbm>>) target(%arg5 : memref<2x125xi32, #tpu.memory_space<vmem>>) target_semaphore(%arg12 : memref<!tpu.dma_semaphore, #tpu.memory_space<semaphore_mem>>)
      } else {
      }
      %add3A_115 = arith.constant 2 : i32
      %add3A_116 = arith.addi %mul3A_85, %add3A_115 : i32
      %dma_wait3A_117 = arith.constant 0 : i32
      %dma_wait3A_118 = arith.constant 0 : i32
      %dma_wait3A_119 = tpu.memref_slice %arg3[%add3A, %add3A_116, %dma_wait3A_117, %dma_wait3A_118] : memref<32x80x2x125xi32, #tpu.memory_space<hbm>> -> memref<1x1x2x125xi32, #tpu.memory_space<hbm>>
      %dma_wait3A_120 = tpu.memref_squeeze %dma_wait3A_119 : memref<1x1x2x125xi32, #tpu.memory_space<hbm>> -> memref<2x125xi32, #tpu.memory_space<hbm>>
      %dma_wait3A_121 = arith.constant 0 : i32
      %dma_wait3A_122 = arith.constant 0 : i32
      %dma_wait3A_123 = tpu.memref_slice %arg3[%add3A, %add3A_116, %dma_wait3A_121, %dma_wait3A_122] : memref<32x80x2x125xi32, #tpu.memory_space<hbm>> -> memref<1x1x2x125xi32, #tpu.memory_space<hbm>>
      %dma_wait3A_124 = tpu.memref_squeeze %dma_wait3A_123 : memref<1x1x2x125xi32, #tpu.memory_space<hbm>> -> memref<2x125xi32, #tpu.memory_space<hbm>>
      tpu.wait_dma2 semaphore(%arg14 : memref<!tpu.dma_semaphore, #tpu.memory_space<semaphore_mem>>) src(%dma_wait3A_124 : memref<2x125xi32, #tpu.memory_space<hbm>>) dst(%arg7 : memref<2x125xi32, #tpu.memory_space<vmem>>)
      %dma_start3A_125 = arith.constant 0 : i32
      %dma_start3A_126 = arith.constant 0 : i32
      %dma_start3A_127 = tpu.memref_slice %arg7[%dma_start3A_125, %dma_start3A_126] : memref<2x125xi32, #tpu.memory_space<vmem>> -> memref<1x125xi32, #tpu.memory_space<vmem>>
      %dma_start3A_128 = tpu.memref_squeeze %dma_start3A_127 : memref<1x125xi32, #tpu.memory_space<vmem>> -> memref<125xi32, #tpu.memory_space<vmem>>
      %dma_start3A_129 = arith.constant 0 : i32
      %dma_start3A_130 = arith.constant 0 : i32
      %dma_start3A_131 = tpu.memref_slice %arg2[%dma_start3A_129, %dma_start3A_130] : memref<10000x128xf32, #tpu.memory_space<hbm>> -> memref<10000x128xf32, #tpu.memory_space<hbm>>
      tpu.enqueue_indirect_dma source(%dma_start3A_131 : memref<10000x128xf32, #tpu.memory_space<hbm>>) target(%arg9 : memref<125x128xf32, #tpu.memory_space<vmem>>) offsets(%dma_start3A_128 : memref<125xi32, #tpu.memory_space<vmem>>) semaphore(%arg16 : memref<!tpu.dma_semaphore, #tpu.memory_space<semaphore_mem>>)
      %dma_wait3A_132 = arith.constant 0 : i32
      %dma_wait3A_133 = arith.constant 0 : i32
      %dma_wait3A_134 = tpu.memref_slice %arg6[%dma_wait3A_132, %dma_wait3A_133] : memref<2x125xi32, #tpu.memory_space<vmem>> -> memref<1x125xi32, #tpu.memory_space<vmem>>
      %dma_wait3A_135 = tpu.memref_squeeze %dma_wait3A_134 : memref<1x125xi32, #tpu.memory_space<vmem>> -> memref<125xi32, #tpu.memory_space<vmem>>
      %dma_wait3A_136 = arith.constant 0 : i32
      %dma_wait3A_137 = arith.constant 0 : i32
      %dma_wait3A_138 = tpu.memref_slice %arg2[%dma_wait3A_136, %dma_wait3A_137] : memref<10000x128xf32, #tpu.memory_space<hbm>> -> memref<10000x128xf32, #tpu.memory_space<hbm>>
      tpu.wait_indirect_dma semaphore(%arg17 : memref<!tpu.dma_semaphore, #tpu.memory_space<semaphore_mem>>) src(%dma_wait3A_138 : memref<10000x128xf32, #tpu.memory_space<hbm>>) dst(%arg10 : memref<125x128xf32, #tpu.memory_space<vmem>>)
      %run_scoped3A_139 = arith.constant 1 : i32
      "tpu.region"() ({
        %run_scoped3A_189 = tpu.sem_alloc : memref<!tpu.dma_semaphore, #tpu.memory_space<semaphore_mem>>
        %dma_start3A_190 = arith.constant 0 : i32
        %dma_start3A_191 = tpu.memref_slice %arg6[%run_scoped3A_139, %dma_start3A_190] : memref<2x125xi32, #tpu.memory_space<vmem>> -> memref<1x125xi32, #tpu.memory_space<vmem>>
        %dma_start3A_192 = tpu.memref_squeeze %dma_start3A_191 : memref<1x125xi32, #tpu.memory_space<vmem>> -> memref<125xi32, #tpu.memory_space<vmem>>
        %dma_start3A_193 = arith.constant 0 : i32
        %dma_start3A_194 = arith.constant 0 : i32
        %dma_start3A_195 = tpu.memref_slice %arg11[%dma_start3A_193, %dma_start3A_194] : memref<10000x128xf32, #tpu.memory_space<vmem_shared>> -> memref<10000x128xf32, #tpu.memory_space<vmem_shared>>
        tpu.enqueue_indirect_dma source(%arg10 : memref<125x128xf32, #tpu.memory_space<vmem>>) target(%dma_start3A_195 : memref<10000x128xf32, #tpu.memory_space<vmem_shared>>) offsets(%dma_start3A_192 : memref<125xi32, #tpu.memory_space<vmem>>) semaphore(%run_scoped3A_189 : memref<!tpu.dma_semaphore, #tpu.memory_space<semaphore_mem>>) {add = true}
        %dma_wait3A_196 = arith.constant 0 : i32
        %dma_wait3A_197 = tpu.memref_slice %arg6[%run_scoped3A_139, %dma_wait3A_196] : memref<2x125xi32, #tpu.memory_space<vmem>> -> memref<1x125xi32, #tpu.memory_space<vmem>>
        %dma_wait3A_198 = tpu.memref_squeeze %dma_wait3A_197 : memref<1x125xi32, #tpu.memory_space<vmem>> -> memref<125xi32, #tpu.memory_space<vmem>>
        %dma_wait3A_199 = arith.constant 0 : i32
        %dma_wait3A_200 = arith.constant 0 : i32
        %dma_wait3A_201 = tpu.memref_slice %arg11[%dma_wait3A_199, %dma_wait3A_200] : memref<10000x128xf32, #tpu.memory_space<vmem_shared>> -> memref<10000x128xf32, #tpu.memory_space<vmem_shared>>
        tpu.wait_indirect_dma semaphore(%run_scoped3A_189 : memref<!tpu.dma_semaphore, #tpu.memory_space<semaphore_mem>>) src(%arg10 : memref<125x128xf32, #tpu.memory_space<vmem>>) dst(%dma_wait3A_201 : memref<10000x128xf32, #tpu.memory_space<vmem_shared>>)
        tpu.yield
      }) : () -> ()
      %not3A_140 = arith.constant true
      %not3A_141 = arith.xori %ge3A_86, %not3A_140 : i1
      %convert_element_type3A_142 = arith.extui %not3A_141 : i1 to i32
      %cond3A_143 = arith.constant 0 : i32
      %cond3A_144 = arith.cmpi ne, %convert_element_type3A_142, %cond3A_143 : i32
      scf.if %cond3A_144 {
        %add3A_189 = arith.constant 5 : i32
        %add3A_190 = arith.addi %mul3A_85, %add3A_189 : i32
        %dma_start3A_191 = arith.constant 0 : i32
        %dma_start3A_192 = arith.constant 0 : i32
        %dma_start3A_193 = tpu.memref_slice %arg3[%add3A, %add3A_190, %dma_start3A_191, %dma_start3A_192] : memref<32x80x2x125xi32, #tpu.memory_space<hbm>> -> memref<1x1x2x125xi32, #tpu.memory_space<hbm>>
        %dma_start3A_194 = tpu.memref_squeeze %dma_start3A_193 : memref<1x1x2x125xi32, #tpu.memory_space<hbm>> -> memref<2x125xi32, #tpu.memory_space<hbm>>
        %dma_start3A_195 = arith.constant 0 : i32
        %dma_start3A_196 = arith.constant 0 : i32
        %dma_start3A_197 = tpu.memref_slice %arg3[%add3A, %add3A_190, %dma_start3A_195, %dma_start3A_196] : memref<32x80x2x125xi32, #tpu.memory_space<hbm>> -> memref<1x1x2x125xi32, #tpu.memory_space<hbm>>
        %dma_start3A_198 = tpu.memref_squeeze %dma_start3A_197 : memref<1x1x2x125xi32, #tpu.memory_space<hbm>> -> memref<2x125xi32, #tpu.memory_space<hbm>>
        tpu.enqueue_dma source(%dma_start3A_198 : memref<2x125xi32, #tpu.memory_space<hbm>>) target(%arg6 : memref<2x125xi32, #tpu.memory_space<vmem>>) target_semaphore(%arg13 : memref<!tpu.dma_semaphore, #tpu.memory_space<semaphore_mem>>)
      } else {
      }
      %add3A_145 = arith.constant 3 : i32
      %add3A_146 = arith.addi %mul3A_85, %add3A_145 : i32
      %dma_wait3A_147 = arith.constant 0 : i32
      %dma_wait3A_148 = arith.constant 0 : i32
      %dma_wait3A_149 = tpu.memref_slice %arg3[%add3A, %add3A_146, %dma_wait3A_147, %dma_wait3A_148] : memref<32x80x2x125xi32, #tpu.memory_space<hbm>> -> memref<1x1x2x125xi32, #tpu.memory_space<hbm>>
      %dma_wait3A_150 = tpu.memref_squeeze %dma_wait3A_149 : memref<1x1x2x125xi32, #tpu.memory_space<hbm>> -> memref<2x125xi32, #tpu.memory_space<hbm>>
      %dma_wait3A_151 = arith.constant 0 : i32
      %dma_wait3A_152 = arith.constant 0 : i32
      %dma_wait3A_153 = tpu.memref_slice %arg3[%add3A, %add3A_146, %dma_wait3A_151, %dma_wait3A_152] : memref<32x80x2x125xi32, #tpu.memory_space<hbm>> -> memref<1x1x2x125xi32, #tpu.memory_space<hbm>>
      %dma_wait3A_154 = tpu.memref_squeeze %dma_wait3A_153 : memref<1x1x2x125xi32, #tpu.memory_space<hbm>> -> memref<2x125xi32, #tpu.memory_space<hbm>>
      tpu.wait_dma2 semaphore(%arg15 : memref<!tpu.dma_semaphore, #tpu.memory_space<semaphore_mem>>) src(%dma_wait3A_154 : memref<2x125xi32, #tpu.memory_space<hbm>>) dst(%arg8 : memref<2x125xi32, #tpu.memory_space<vmem>>)
      %dma_start3A_155 = arith.constant 0 : i32
      %dma_start3A_156 = arith.constant 0 : i32
      %dma_start3A_157 = tpu.memref_slice %arg8[%dma_start3A_155, %dma_start3A_156] : memref<2x125xi32, #tpu.memory_space<vmem>> -> memref<1x125xi32, #tpu.memory_space<vmem>>
      %dma_start3A_158 = tpu.memref_squeeze %dma_start3A_157 : memref<1x125xi32, #tpu.memory_space<vmem>> -> memref<125xi32, #tpu.memory_space<vmem>>
      %dma_start3A_159 = arith.constant 0 : i32
      %dma_start3A_160 = arith.constant 0 : i32
      %dma_start3A_161 = tpu.memref_slice %arg2[%dma_start3A_159, %dma_start3A_160] : memref<10000x128xf32, #tpu.memory_space<hbm>> -> memref<10000x128xf32, #tpu.memory_space<hbm>>
      tpu.enqueue_indirect_dma source(%dma_start3A_161 : memref<10000x128xf32, #tpu.memory_space<hbm>>) target(%arg10 : memref<125x128xf32, #tpu.memory_space<vmem>>) offsets(%dma_start3A_158 : memref<125xi32, #tpu.memory_space<vmem>>) semaphore(%arg17 : memref<!tpu.dma_semaphore, #tpu.memory_space<semaphore_mem>>)
      %dma_wait3A_162 = arith.constant 0 : i32
      %dma_wait3A_163 = arith.constant 0 : i32
      %dma_wait3A_164 = tpu.memref_slice %arg7[%dma_wait3A_162, %dma_wait3A_163] : memref<2x125xi32, #tpu.memory_space<vmem>> -> memref<1x125xi32, #tpu.memory_space<vmem>>
      %dma_wait3A_165 = tpu.memref_squeeze %dma_wait3A_164 : memref<1x125xi32, #tpu.memory_space<vmem>> -> memref<125xi32, #tpu.memory_space<vmem>>
      %dma_wait3A_166 = arith.constant 0 : i32
      %dma_wait3A_167 = arith.constant 0 : i32
      %dma_wait3A_168 = tpu.memref_slice %arg2[%dma_wait3A_166, %dma_wait3A_167] : memref<10000x128xf32, #tpu.memory_space<hbm>> -> memref<10000x128xf32, #tpu.memory_space<hbm>>
      tpu.wait_indirect_dma semaphore(%arg16 : memref<!tpu.dma_semaphore, #tpu.memory_space<semaphore_mem>>) src(%dma_wait3A_168 : memref<10000x128xf32, #tpu.memory_space<hbm>>) dst(%arg9 : memref<125x128xf32, #tpu.memory_space<vmem>>)
      %run_scoped3A_169 = arith.constant 1 : i32
      "tpu.region"() ({
        %run_scoped3A_189 = tpu.sem_alloc : memref<!tpu.dma_semaphore, #tpu.memory_space<semaphore_mem>>
        %dma_start3A_190 = arith.constant 0 : i32
        %dma_start3A_191 = tpu.memref_slice %arg7[%run_scoped3A_169, %dma_start3A_190] : memref<2x125xi32, #tpu.memory_space<vmem>> -> memref<1x125xi32, #tpu.memory_space<vmem>>
        %dma_start3A_192 = tpu.memref_squeeze %dma_start3A_191 : memref<1x125xi32, #tpu.memory_space<vmem>> -> memref<125xi32, #tpu.memory_space<vmem>>
        %dma_start3A_193 = arith.constant 0 : i32
        %dma_start3A_194 = arith.constant 0 : i32
        %dma_start3A_195 = tpu.memref_slice %arg11[%dma_start3A_193, %dma_start3A_194] : memref<10000x128xf32, #tpu.memory_space<vmem_shared>> -> memref<10000x128xf32, #tpu.memory_space<vmem_shared>>
        tpu.enqueue_indirect_dma source(%arg9 : memref<125x128xf32, #tpu.memory_space<vmem>>) target(%dma_start3A_195 : memref<10000x128xf32, #tpu.memory_space<vmem_shared>>) offsets(%dma_start3A_192 : memref<125xi32, #tpu.memory_space<vmem>>) semaphore(%run_scoped3A_189 : memref<!tpu.dma_semaphore, #tpu.memory_space<semaphore_mem>>) {add = true}
        %dma_wait3A_196 = arith.constant 0 : i32
        %dma_wait3A_197 = tpu.memref_slice %arg7[%run_scoped3A_169, %dma_wait3A_196] : memref<2x125xi32, #tpu.memory_space<vmem>> -> memref<1x125xi32, #tpu.memory_space<vmem>>
        %dma_wait3A_198 = tpu.memref_squeeze %dma_wait3A_197 : memref<1x125xi32, #tpu.memory_space<vmem>> -> memref<125xi32, #tpu.memory_space<vmem>>
        %dma_wait3A_199 = arith.constant 0 : i32
        %dma_wait3A_200 = arith.constant 0 : i32
        %dma_wait3A_201 = tpu.memref_slice %arg11[%dma_wait3A_199, %dma_wait3A_200] : memref<10000x128xf32, #tpu.memory_space<vmem_shared>> -> memref<10000x128xf32, #tpu.memory_space<vmem_shared>>
        tpu.wait_indirect_dma semaphore(%run_scoped3A_189 : memref<!tpu.dma_semaphore, #tpu.memory_space<semaphore_mem>>) src(%arg9 : memref<125x128xf32, #tpu.memory_space<vmem>>) dst(%dma_wait3A_201 : memref<10000x128xf32, #tpu.memory_space<vmem_shared>>)
        tpu.yield
      }) : () -> ()
      %not3A_170 = arith.constant true
      %not3A_171 = arith.xori %ge3A_86, %not3A_170 : i1
      %convert_element_type3A_172 = arith.extui %not3A_171 : i1 to i32
      %cond3A_173 = arith.constant 0 : i32
      %cond3A_174 = arith.cmpi ne, %convert_element_type3A_172, %cond3A_173 : i32
      scf.if %cond3A_174 {
        %add3A_189 = arith.constant 6 : i32
        %add3A_190 = arith.addi %mul3A_85, %add3A_189 : i32
        %dma_start3A_191 = arith.constant 0 : i32
        %dma_start3A_192 = arith.constant 0 : i32
        %dma_start3A_193 = tpu.memref_slice %arg3[%add3A, %add3A_190, %dma_start3A_191, %dma_start3A_192] : memref<32x80x2x125xi32, #tpu.memory_space<hbm>> -> memref<1x1x2x125xi32, #tpu.memory_space<hbm>>
        %dma_start3A_194 = tpu.memref_squeeze %dma_start3A_193 : memref<1x1x2x125xi32, #tpu.memory_space<hbm>> -> memref<2x125xi32, #tpu.memory_space<hbm>>
        %dma_start3A_195 = arith.constant 0 : i32
        %dma_start3A_196 = arith.constant 0 : i32
        %dma_start3A_197 = tpu.memref_slice %arg3[%add3A, %add3A_190, %dma_start3A_195, %dma_start3A_196] : memref<32x80x2x125xi32, #tpu.memory_space<hbm>> -> memref<1x1x2x125xi32, #tpu.memory_space<hbm>>
        %dma_start3A_198 = tpu.memref_squeeze %dma_start3A_197 : memref<1x1x2x125xi32, #tpu.memory_space<hbm>> -> memref<2x125xi32, #tpu.memory_space<hbm>>
        tpu.enqueue_dma source(%dma_start3A_198 : memref<2x125xi32, #tpu.memory_space<hbm>>) target(%arg7 : memref<2x125xi32, #tpu.memory_space<vmem>>) target_semaphore(%arg14 : memref<!tpu.dma_semaphore, #tpu.memory_space<semaphore_mem>>)
        %add3A_199 = arith.constant 4 : i32
        %add3A_200 = arith.addi %mul3A_85, %add3A_199 : i32
        %dma_wait3A_201 = arith.constant 0 : i32
        %dma_wait3A_202 = arith.constant 0 : i32
        %dma_wait3A_203 = tpu.memref_slice %arg3[%add3A, %add3A_200, %dma_wait3A_201, %dma_wait3A_202] : memref<32x80x2x125xi32, #tpu.memory_space<hbm>> -> memref<1x1x2x125xi32, #tpu.memory_space<hbm>>
        %dma_wait3A_204 = tpu.memref_squeeze %dma_wait3A_203 : memref<1x1x2x125xi32, #tpu.memory_space<hbm>> -> memref<2x125xi32, #tpu.memory_space<hbm>>
        %dma_wait3A_205 = arith.constant 0 : i32
        %dma_wait3A_206 = arith.constant 0 : i32
        %dma_wait3A_207 = tpu.memref_slice %arg3[%add3A, %add3A_200, %dma_wait3A_205, %dma_wait3A_206] : memref<32x80x2x125xi32, #tpu.memory_space<hbm>> -> memref<1x1x2x125xi32, #tpu.memory_space<hbm>>
        %dma_wait3A_208 = tpu.memref_squeeze %dma_wait3A_207 : memref<1x1x2x125xi32, #tpu.memory_space<hbm>> -> memref<2x125xi32, #tpu.memory_space<hbm>>
        tpu.wait_dma2 semaphore(%arg12 : memref<!tpu.dma_semaphore, #tpu.memory_space<semaphore_mem>>) src(%dma_wait3A_208 : memref<2x125xi32, #tpu.memory_space<hbm>>) dst(%arg5 : memref<2x125xi32, #tpu.memory_space<vmem>>)
        %dma_start3A_209 = arith.constant 0 : i32
        %dma_start3A_210 = arith.constant 0 : i32
        %dma_start3A_211 = tpu.memref_slice %arg5[%dma_start3A_209, %dma_start3A_210] : memref<2x125xi32, #tpu.memory_space<vmem>> -> memref<1x125xi32, #tpu.memory_space<vmem>>
        %dma_start3A_212 = tpu.memref_squeeze %dma_start3A_211 : memref<1x125xi32, #tpu.memory_space<vmem>> -> memref<125xi32, #tpu.memory_space<vmem>>
        %dma_start3A_213 = arith.constant 0 : i32
        %dma_start3A_214 = arith.constant 0 : i32
        %dma_start3A_215 = tpu.memref_slice %arg2[%dma_start3A_213, %dma_start3A_214] : memref<10000x128xf32, #tpu.memory_space<hbm>> -> memref<10000x128xf32, #tpu.memory_space<hbm>>
        tpu.enqueue_indirect_dma source(%dma_start3A_215 : memref<10000x128xf32, #tpu.memory_space<hbm>>) target(%arg9 : memref<125x128xf32, #tpu.memory_space<vmem>>) offsets(%dma_start3A_212 : memref<125xi32, #tpu.memory_space<vmem>>) semaphore(%arg16 : memref<!tpu.dma_semaphore, #tpu.memory_space<semaphore_mem>>)
      } else {
      }
      %dma_wait3A_175 = arith.constant 0 : i32
      %dma_wait3A_176 = arith.constant 0 : i32
      %dma_wait3A_177 = tpu.memref_slice %arg8[%dma_wait3A_175, %dma_wait3A_176] : memref<2x125xi32, #tpu.memory_space<vmem>> -> memref<1x125xi32, #tpu.memory_space<vmem>>
      %dma_wait3A_178 = tpu.memref_squeeze %dma_wait3A_177 : memref<1x125xi32, #tpu.memory_space<vmem>> -> memref<125xi32, #tpu.memory_space<vmem>>
      %dma_wait3A_179 = arith.constant 0 : i32
      %dma_wait3A_180 = arith.constant 0 : i32
      %dma_wait3A_181 = tpu.memref_slice %arg2[%dma_wait3A_179, %dma_wait3A_180] : memref<10000x128xf32, #tpu.memory_space<hbm>> -> memref<10000x128xf32, #tpu.memory_space<hbm>>
      tpu.wait_indirect_dma semaphore(%arg17 : memref<!tpu.dma_semaphore, #tpu.memory_space<semaphore_mem>>) src(%dma_wait3A_181 : memref<10000x128xf32, #tpu.memory_space<hbm>>) dst(%arg10 : memref<125x128xf32, #tpu.memory_space<vmem>>)
      %run_scoped3A_182 = arith.constant 1 : i32
      "tpu.region"() ({
        %run_scoped3A_189 = tpu.sem_alloc : memref<!tpu.dma_semaphore, #tpu.memory_space<semaphore_mem>>
        %dma_start3A_190 = arith.constant 0 : i32
        %dma_start3A_191 = tpu.memref_slice %arg8[%run_scoped3A_182, %dma_start3A_190] : memref<2x125xi32, #tpu.memory_space<vmem>> -> memref<1x125xi32, #tpu.memory_space<vmem>>
        %dma_start3A_192 = tpu.memref_squeeze %dma_start3A_191 : memref<1x125xi32, #tpu.memory_space<vmem>> -> memref<125xi32, #tpu.memory_space<vmem>>
        %dma_start3A_193 = arith.constant 0 : i32
        %dma_start3A_194 = arith.constant 0 : i32
        %dma_start3A_195 = tpu.memref_slice %arg11[%dma_start3A_193, %dma_start3A_194] : memref<10000x128xf32, #tpu.memory_space<vmem_shared>> -> memref<10000x128xf32, #tpu.memory_space<vmem_shared>>
        tpu.enqueue_indirect_dma source(%arg10 : memref<125x128xf32, #tpu.memory_space<vmem>>) target(%dma_start3A_195 : memref<10000x128xf32, #tpu.memory_space<vmem_shared>>) offsets(%dma_start3A_192 : memref<125xi32, #tpu.memory_space<vmem>>) semaphore(%run_scoped3A_189 : memref<!tpu.dma_semaphore, #tpu.memory_space<semaphore_mem>>) {add = true}
        %dma_wait3A_196 = arith.constant 0 : i32
        %dma_wait3A_197 = tpu.memref_slice %arg8[%run_scoped3A_182, %dma_wait3A_196] : memref<2x125xi32, #tpu.memory_space<vmem>> -> memref<1x125xi32, #tpu.memory_space<vmem>>
        %dma_wait3A_198 = tpu.memref_squeeze %dma_wait3A_197 : memref<1x125xi32, #tpu.memory_space<vmem>> -> memref<125xi32, #tpu.memory_space<vmem>>
        %dma_wait3A_199 = arith.constant 0 : i32
        %dma_wait3A_200 = arith.constant 0 : i32
        %dma_wait3A_201 = tpu.memref_slice %arg11[%dma_wait3A_199, %dma_wait3A_200] : memref<10000x128xf32, #tpu.memory_space<vmem_shared>> -> memref<10000x128xf32, #tpu.memory_space<vmem_shared>>
        tpu.wait_indirect_dma semaphore(%run_scoped3A_189 : memref<!tpu.dma_semaphore, #tpu.memory_space<semaphore_mem>>) src(%arg10 : memref<125x128xf32, #tpu.memory_space<vmem>>) dst(%dma_wait3A_201 : memref<10000x128xf32, #tpu.memory_space<vmem_shared>>)
        tpu.yield
      }) : () -> ()
      %not3A_183 = arith.constant true
      %not3A_184 = arith.xori %ge3A_86, %not3A_183 : i1
      %convert_element_type3A_185 = arith.extui %not3A_184 : i1 to i32
      %cond3A_186 = arith.constant 0 : i32
      %cond3A_187 = arith.cmpi ne, %convert_element_type3A_185, %cond3A_186 : i32
      scf.if %cond3A_187 {
        %add3A_189 = arith.constant 7 : i32
        %add3A_190 = arith.addi %mul3A_85, %add3A_189 : i32
        %dma_start3A_191 = arith.constant 0 : i32
        %dma_start3A_192 = arith.constant 0 : i32
        %dma_start3A_193 = tpu.memref_slice %arg3[%add3A, %add3A_190, %dma_start3A_191, %dma_start3A_192] : memref<32x80x2x125xi32, #tpu.memory_space<hbm>> -> memref<1x1x2x125xi32, #tpu.memory_space<hbm>>
        %dma_start3A_194 = tpu.memref_squeeze %dma_start3A_193 : memref<1x1x2x125xi32, #tpu.memory_space<hbm>> -> memref<2x125xi32, #tpu.memory_space<hbm>>
        %dma_start3A_195 = arith.constant 0 : i32
        %dma_start3A_196 = arith.constant 0 : i32
        %dma_start3A_197 = tpu.memref_slice %arg3[%add3A, %add3A_190, %dma_start3A_195, %dma_start3A_196] : memref<32x80x2x125xi32, #tpu.memory_space<hbm>> -> memref<1x1x2x125xi32, #tpu.memory_space<hbm>>
        %dma_start3A_198 = tpu.memref_squeeze %dma_start3A_197 : memref<1x1x2x125xi32, #tpu.memory_space<hbm>> -> memref<2x125xi32, #tpu.memory_space<hbm>>
        tpu.enqueue_dma source(%dma_start3A_198 : memref<2x125xi32, #tpu.memory_space<hbm>>) target(%arg8 : memref<2x125xi32, #tpu.memory_space<vmem>>) target_semaphore(%arg15 : memref<!tpu.dma_semaphore, #tpu.memory_space<semaphore_mem>>)
      } else {
      }
      %scan3A_188 = arith.constant 0 : i32
      scf.yield %scan3A_188 : i32
    }
    %scan3A_70 = arith.constant 20 : i32
    %barrier3A_71 = arith.constant 0 : index
    tpu.barrier barrier_id(%barrier3A_71)
    %lt3A_72 = arith.constant 15 : i32
    %lt3A_73 = arith.cmpi slt, %arg1, %lt3A_72 : i32
    %convert_element_type3A_74 = arith.extui %lt3A_73 : i1 to i32
    %cond3A_75 = arith.constant 0 : i32
    %cond3A_76 = arith.cmpi ne, %convert_element_type3A_74, %cond3A_75 : i32
    scf.if %cond3A_76 {
      "tpu.region"() ({
        %run_scoped3A = tpu.sem_alloc : memref<!tpu.dma_semaphore, #tpu.memory_space<semaphore_mem>>
        %dma_start3A_82 = arith.constant 0 : i32
        %dma_start3A_83 = tpu.memref_slice %arg4[%multiple_of3A_8, %dma_start3A_82] : memref<20000x128xf32, #tpu.memory_space<hbm>> -> memref<632x128xf32, #tpu.memory_space<hbm>>
        %dma_start3A_84 = arith.constant 0 : i32
        %dma_start3A_85 = tpu.memref_slice %arg11[%multiple_of3A, %dma_start3A_84] : memref<10000x128xf32, #tpu.memory_space<vmem_shared>> -> memref<632x128xf32, #tpu.memory_space<vmem_shared>>
        tpu.enqueue_dma source(%dma_start3A_85 : memref<632x128xf32, #tpu.memory_space<vmem_shared>>) target(%dma_start3A_83 : memref<632x128xf32, #tpu.memory_space<hbm>>) target_semaphore(%run_scoped3A : memref<!tpu.dma_semaphore, #tpu.memory_space<semaphore_mem>>)
        %dma_wait3A_86 = arith.constant 0 : i32
        %dma_wait3A_87 = tpu.memref_slice %arg4[%multiple_of3A_8, %dma_wait3A_86] : memref<20000x128xf32, #tpu.memory_space<hbm>> -> memref<632x128xf32, #tpu.memory_space<hbm>>
        %dma_wait3A_88 = arith.constant 0 : i32
        %dma_wait3A_89 = tpu.memref_slice %arg11[%multiple_of3A, %dma_wait3A_88] : memref<10000x128xf32, #tpu.memory_space<vmem_shared>> -> memref<632x128xf32, #tpu.memory_space<vmem_shared>>
        tpu.wait_dma2 semaphore(%run_scoped3A : memref<!tpu.dma_semaphore, #tpu.memory_space<semaphore_mem>>) src(%dma_wait3A_89 : memref<632x128xf32, #tpu.memory_space<vmem_shared>>) dst(%dma_wait3A_87 : memref<632x128xf32, #tpu.memory_space<hbm>>)
        tpu.yield
      }) : () -> ()
    } else {
    }
    %eq3A_77 = arith.constant 15 : i32
    %eq3A_78 = arith.cmpi eq, %arg1, %eq3A_77 : i32
    %convert_element_type3A_79 = arith.extui %eq3A_78 : i1 to i32
    %cond3A_80 = arith.constant 0 : i32
    %cond3A_81 = arith.cmpi ne, %convert_element_type3A_79, %cond3A_80 : i32
    scf.if %cond3A_81 {
      "tpu.region"() ({
        %run_scoped3A = tpu.sem_alloc : memref<!tpu.dma_semaphore, #tpu.memory_space<semaphore_mem>>
        %dma_start3A_82 = arith.constant 0 : i32
        %dma_start3A_83 = tpu.memref_slice %arg4[%multiple_of3A_8, %dma_start3A_82] : memref<20000x128xf32, #tpu.memory_space<hbm>> -> memref<520x128xf32, #tpu.memory_space<hbm>>
        %dma_start3A_84 = arith.constant 0 : i32
        %dma_start3A_85 = tpu.memref_slice %arg11[%multiple_of3A, %dma_start3A_84] : memref<10000x128xf32, #tpu.memory_space<vmem_shared>> -> memref<520x128xf32, #tpu.memory_space<vmem_shared>>
        tpu.enqueue_dma source(%dma_start3A_85 : memref<520x128xf32, #tpu.memory_space<vmem_shared>>) target(%dma_start3A_83 : memref<520x128xf32, #tpu.memory_space<hbm>>) target_semaphore(%run_scoped3A : memref<!tpu.dma_semaphore, #tpu.memory_space<semaphore_mem>>)
        %dma_wait3A_86 = arith.constant 0 : i32
        %dma_wait3A_87 = tpu.memref_slice %arg4[%multiple_of3A_8, %dma_wait3A_86] : memref<20000x128xf32, #tpu.memory_space<hbm>> -> memref<520x128xf32, #tpu.memory_space<hbm>>
        %dma_wait3A_88 = arith.constant 0 : i32
        %dma_wait3A_89 = tpu.memref_slice %arg11[%multiple_of3A, %dma_wait3A_88] : memref<10000x128xf32, #tpu.memory_space<vmem_shared>> -> memref<520x128xf32, #tpu.memory_space<vmem_shared>>
        tpu.wait_dma2 semaphore(%run_scoped3A : memref<!tpu.dma_semaphore, #tpu.memory_space<semaphore_mem>>) src(%dma_wait3A_89 : memref<520x128xf32, #tpu.memory_space<vmem_shared>>) dst(%dma_wait3A_87 : memref<520x128xf32, #tpu.memory_space<hbm>>)
        tpu.yield
      }) : () -> ()
    } else {
    }
    return
  }
}

#map = affine_map<(d0, d1) -> (0, 0)>
#map1 = affine_map<(d0, d1) -> (0, 0, 0, 0)>
module attributes {stable_mosaic.version = 14 : i64} {
  func.func @_agg_sc(%arg0: i32, %arg1: i32, %arg2: memref<10000x128xf32, #tpu.memory_space<hbm>>, %arg3: memref<32x80x2x125xi32, #tpu.memory_space<hbm>>, %arg4: memref<20000x128xf32, #tpu.memory_space<hbm>>, %arg5: memref<2x125xi32, #tpu.memory_space<vmem>>, %arg6: memref<2x125xi32, #tpu.memory_space<vmem>>, %arg7: memref<2x125xi32, #tpu.memory_space<vmem>>, %arg8: memref<2x125xi32, #tpu.memory_space<vmem>>, %arg9: memref<125x128xf32, #tpu.memory_space<vmem>>, %arg10: memref<125x128xf32, #tpu.memory_space<vmem>>, %arg11: memref<10000x128xf32, #tpu.memory_space<vmem_shared>>, %arg12: memref<!tpu.dma_semaphore, #tpu.memory_space<semaphore_mem>>, %arg13: memref<!tpu.dma_semaphore, #tpu.memory_space<semaphore_mem>>, %arg14: memref<!tpu.dma_semaphore, #tpu.memory_space<semaphore_mem>>, %arg15: memref<!tpu.dma_semaphore, #tpu.memory_space<semaphore_mem>>, %arg16: memref<!tpu.dma_semaphore, #tpu.memory_space<semaphore_mem>>, %arg17: memref<!tpu.dma_semaphore, #tpu.memory_space<semaphore_mem>>) attributes {dimension_semantics = [#tpu.dimension_semantics<core_parallel>, #tpu.dimension_semantics<subcore_parallel>], iteration_bounds = array<i64: 2, 16>, scalar_prefetch = 0 : i64, scratch_operands = 13 : i64, tpu.core_type = #tpu.core_type<sc_vector_subcore>, window_params = [{transform_indices = #map}, {transform_indices = #map1}, {transform_indices = #map}]} {
    %mul3A = arith.constant 16 : i32
    %mul3A_0 = arith.muli %arg0, %mul3A : i32
    %add3A = arith.addi %mul3A_0, %arg1 : i32
    %mul3A_1 = arith.constant 632 : i32
    %mul3A_2 = arith.muli %arg1, %mul3A_1 : i32
    %multiple_of3A = tpu.assume_multiple %mul3A_2, 8 : i32
    %mul3A_3 = arith.constant 10000 : i32
    %mul3A_4 = arith.muli %arg0, %mul3A_3 : i32
    %mul3A_5 = arith.constant 632 : i32
    %mul3A_6 = arith.muli %arg1, %mul3A_5 : i32
    %add3A_7 = arith.addi %mul3A_4, %mul3A_6 : i32
    %multiple_of3A_8 = tpu.assume_multiple %add3A_7, 8 : i32
    %lt3A = arith.constant 15 : i32
    %lt3A_9 = arith.cmpi slt, %arg1, %lt3A : i32
    %convert_element_type3A = arith.extui %lt3A_9 : i1 to i32
    %cond3A = arith.constant 0 : i32
    %cond3A_10 = arith.cmpi ne, %convert_element_type3A, %cond3A : i32
    scf.if %cond3A_10 {
      "tpu.region"() ({
        %run_scoped3A = tpu.sem_alloc : memref<!tpu.dma_semaphore, #tpu.memory_space<semaphore_mem>>
        %dma_start3A_82 = arith.constant 0 : i32
        %dma_start3A_83 = tpu.memref_slice %arg11[%multiple_of3A, %dma_start3A_82] : memref<10000x128xf32, #tpu.memory_space<vmem_shared>> -> memref<632x128xf32, #tpu.memory_space<vmem_shared>>
        %dma_start3A_84 = arith.constant 0 : i32
        %dma_start3A_85 = tpu.memref_slice %arg2[%multiple_of3A, %dma_start3A_84] : memref<10000x128xf32, #tpu.memory_space<hbm>> -> memref<632x128xf32, #tpu.memory_space<hbm>>
        tpu.enqueue_dma source(%dma_start3A_85 : memref<632x128xf32, #tpu.memory_space<hbm>>) target(%dma_start3A_83 : memref<632x128xf32, #tpu.memory_space<vmem_shared>>) target_semaphore(%run_scoped3A : memref<!tpu.dma_semaphore, #tpu.memory_space<semaphore_mem>>)
        %dma_wait3A_86 = arith.constant 0 : i32
        %dma_wait3A_87 = tpu.memref_slice %arg11[%multiple_of3A, %dma_wait3A_86] : memref<10000x128xf32, #tpu.memory_space<vmem_shared>> -> memref<632x128xf32, #tpu.memory_space<vmem_shared>>
        %dma_wait3A_88 = arith.constant 0 : i32
        %dma_wait3A_89 = tpu.memref_slice %arg2[%multiple_of3A, %dma_wait3A_88] : memref<10000x128xf32, #tpu.memory_space<hbm>> -> memref<632x128xf32, #tpu.memory_space<hbm>>
        tpu.wait_dma2 semaphore(%run_scoped3A : memref<!tpu.dma_semaphore, #tpu.memory_space<semaphore_mem>>) src(%dma_wait3A_89 : memref<632x128xf32, #tpu.memory_space<hbm>>) dst(%dma_wait3A_87 : memref<632x128xf32, #tpu.memory_space<vmem_shared>>)
        tpu.yield
      }) : () -> ()
    } else {
    }
    %eq3A = arith.constant 15 : i32
    %eq3A_11 = arith.cmpi eq, %arg1, %eq3A : i32
    %convert_element_type3A_12 = arith.extui %eq3A_11 : i1 to i32
    %cond3A_13 = arith.constant 0 : i32
    %cond3A_14 = arith.cmpi ne, %convert_element_type3A_12, %cond3A_13 : i32
    scf.if %cond3A_14 {
      "tpu.region"() ({
        %run_scoped3A = tpu.sem_alloc : memref<!tpu.dma_semaphore, #tpu.memory_space<semaphore_mem>>
        %dma_start3A_82 = arith.constant 0 : i32
        %dma_start3A_83 = tpu.memref_slice %arg11[%multiple_of3A, %dma_start3A_82] : memref<10000x128xf32, #tpu.memory_space<vmem_shared>> -> memref<520x128xf32, #tpu.memory_space<vmem_shared>>
        %dma_start3A_84 = arith.constant 0 : i32
        %dma_start3A_85 = tpu.memref_slice %arg2[%multiple_of3A, %dma_start3A_84] : memref<10000x128xf32, #tpu.memory_space<hbm>> -> memref<520x128xf32, #tpu.memory_space<hbm>>
        tpu.enqueue_dma source(%dma_start3A_85 : memref<520x128xf32, #tpu.memory_space<hbm>>) target(%dma_start3A_83 : memref<520x128xf32, #tpu.memory_space<vmem_shared>>) target_semaphore(%run_scoped3A : memref<!tpu.dma_semaphore, #tpu.memory_space<semaphore_mem>>)
        %dma_wait3A_86 = arith.constant 0 : i32
        %dma_wait3A_87 = tpu.memref_slice %arg11[%multiple_of3A, %dma_wait3A_86] : memref<10000x128xf32, #tpu.memory_space<vmem_shared>> -> memref<520x128xf32, #tpu.memory_space<vmem_shared>>
        %dma_wait3A_88 = arith.constant 0 : i32
        %dma_wait3A_89 = tpu.memref_slice %arg2[%multiple_of3A, %dma_wait3A_88] : memref<10000x128xf32, #tpu.memory_space<hbm>> -> memref<520x128xf32, #tpu.memory_space<hbm>>
        tpu.wait_dma2 semaphore(%run_scoped3A : memref<!tpu.dma_semaphore, #tpu.memory_space<semaphore_mem>>) src(%dma_wait3A_89 : memref<520x128xf32, #tpu.memory_space<hbm>>) dst(%dma_wait3A_87 : memref<520x128xf32, #tpu.memory_space<vmem_shared>>)
        tpu.yield
      }) : () -> ()
    } else {
    }
    %dma_start3A = arith.constant 0 : i32
    %dma_start3A_15 = arith.constant 0 : i32
    %dma_start3A_16 = arith.constant 0 : i32
    %dma_start3A_17 = tpu.memref_slice %arg3[%add3A, %dma_start3A, %dma_start3A_15, %dma_start3A_16] : memref<32x80x2x125xi32, #tpu.memory_space<hbm>> -> memref<1x1x2x125xi32, #tpu.memory_space<hbm>>
    %dma_start3A_18 = tpu.memref_squeeze %dma_start3A_17 : memref<1x1x2x125xi32, #tpu.memory_space<hbm>> -> memref<2x125xi32, #tpu.memory_space<hbm>>
    %dma_start3A_19 = arith.constant 0 : i32
    %dma_start3A_20 = arith.constant 0 : i32
    %dma_start3A_21 = tpu.memref_slice %arg3[%add3A, %dma_start3A, %dma_start3A_19, %dma_start3A_20] : memref<32x80x2x125xi32, #tpu.memory_space<hbm>> -> memref<1x1x2x125xi32, #tpu.memory_space<hbm>>
    %dma_start3A_22 = tpu.memref_squeeze %dma_start3A_21 : memref<1x1x2x125xi32, #tpu.memory_space<hbm>> -> memref<2x125xi32, #tpu.memory_space<hbm>>
    tpu.enqueue_dma source(%dma_start3A_22 : memref<2x125xi32, #tpu.memory_space<hbm>>) target(%arg5 : memref<2x125xi32, #tpu.memory_space<vmem>>) target_semaphore(%arg12 : memref<!tpu.dma_semaphore, #tpu.memory_space<semaphore_mem>>)
    %dma_start3A_23 = arith.constant 1 : i32
    %dma_start3A_24 = arith.constant 0 : i32
    %dma_start3A_25 = arith.constant 0 : i32
    %dma_start3A_26 = tpu.memref_slice %arg3[%add3A, %dma_start3A_23, %dma_start3A_24, %dma_start3A_25] : memref<32x80x2x125xi32, #tpu.memory_space<hbm>> -> memref<1x1x2x125xi32, #tpu.memory_space<hbm>>
    %dma_start3A_27 = tpu.memref_squeeze %dma_start3A_26 : memref<1x1x2x125xi32, #tpu.memory_space<hbm>> -> memref<2x125xi32, #tpu.memory_space<hbm>>
    %dma_start3A_28 = arith.constant 0 : i32
    %dma_start3A_29 = arith.constant 0 : i32
    %dma_start3A_30 = tpu.memref_slice %arg3[%add3A, %dma_start3A_23, %dma_start3A_28, %dma_start3A_29] : memref<32x80x2x125xi32, #tpu.memory_space<hbm>> -> memref<1x1x2x125xi32, #tpu.memory_space<hbm>>
    %dma_start3A_31 = tpu.memref_squeeze %dma_start3A_30 : memref<1x1x2x125xi32, #tpu.memory_space<hbm>> -> memref<2x125xi32, #tpu.memory_space<hbm>>
    tpu.enqueue_dma source(%dma_start3A_31 : memref<2x125xi32, #tpu.memory_space<hbm>>) target(%arg6 : memref<2x125xi32, #tpu.memory_space<vmem>>) target_semaphore(%arg13 : memref<!tpu.dma_semaphore, #tpu.memory_space<semaphore_mem>>)
    %dma_start3A_32 = arith.constant 2 : i32
    %dma_start3A_33 = arith.constant 0 : i32
    %dma_start3A_34 = arith.constant 0 : i32
    %dma_start3A_35 = tpu.memref_slice %arg3[%add3A, %dma_start3A_32, %dma_start3A_33, %dma_start3A_34] : memref<32x80x2x125xi32, #tpu.memory_space<hbm>> -> memref<1x1x2x125xi32, #tpu.memory_space<hbm>>
    %dma_start3A_36 = tpu.memref_squeeze %dma_start3A_35 : memref<1x1x2x125xi32, #tpu.memory_space<hbm>> -> memref<2x125xi32, #tpu.memory_space<hbm>>
    %dma_start3A_37 = arith.constant 0 : i32
    %dma_start3A_38 = arith.constant 0 : i32
    %dma_start3A_39 = tpu.memref_slice %arg3[%add3A, %dma_start3A_32, %dma_start3A_37, %dma_start3A_38] : memref<32x80x2x125xi32, #tpu.memory_space<hbm>> -> memref<1x1x2x125xi32, #tpu.memory_space<hbm>>
    %dma_start3A_40 = tpu.memref_squeeze %dma_start3A_39 : memref<1x1x2x125xi32, #tpu.memory_space<hbm>> -> memref<2x125xi32, #tpu.memory_space<hbm>>
    tpu.enqueue_dma source(%dma_start3A_40 : memref<2x125xi32, #tpu.memory_space<hbm>>) target(%arg7 : memref<2x125xi32, #tpu.memory_space<vmem>>) target_semaphore(%arg14 : memref<!tpu.dma_semaphore, #tpu.memory_space<semaphore_mem>>)
    %dma_start3A_41 = arith.constant 3 : i32
    %dma_start3A_42 = arith.constant 0 : i32
    %dma_start3A_43 = arith.constant 0 : i32
    %dma_start3A_44 = tpu.memref_slice %arg3[%add3A, %dma_start3A_41, %dma_start3A_42, %dma_start3A_43] : memref<32x80x2x125xi32, #tpu.memory_space<hbm>> -> memref<1x1x2x125xi32, #tpu.memory_space<hbm>>
    %dma_start3A_45 = tpu.memref_squeeze %dma_start3A_44 : memref<1x1x2x125xi32, #tpu.memory_space<hbm>> -> memref<2x125xi32, #tpu.memory_space<hbm>>
    %dma_start3A_46 = arith.constant 0 : i32
    %dma_start3A_47 = arith.constant 0 : i32
    %dma_start3A_48 = tpu.memref_slice %arg3[%add3A, %dma_start3A_41, %dma_start3A_46, %dma_start3A_47] : memref<32x80x2x125xi32, #tpu.memory_space<hbm>> -> memref<1x1x2x125xi32, #tpu.memory_space<hbm>>
    %dma_start3A_49 = tpu.memref_squeeze %dma_start3A_48 : memref<1x1x2x125xi32, #tpu.memory_space<hbm>> -> memref<2x125xi32, #tpu.memory_space<hbm>>
    tpu.enqueue_dma source(%dma_start3A_49 : memref<2x125xi32, #tpu.memory_space<hbm>>) target(%arg8 : memref<2x125xi32, #tpu.memory_space<vmem>>) target_semaphore(%arg15 : memref<!tpu.dma_semaphore, #tpu.memory_space<semaphore_mem>>)
    %barrier3A = arith.constant 0 : index
    tpu.barrier barrier_id(%barrier3A)
    %dma_wait3A = arith.constant 0 : i32
    %dma_wait3A_50 = arith.constant 0 : i32
    %dma_wait3A_51 = arith.constant 0 : i32
    %dma_wait3A_52 = tpu.memref_slice %arg3[%add3A, %dma_wait3A, %dma_wait3A_50, %dma_wait3A_51] : memref<32x80x2x125xi32, #tpu.memory_space<hbm>> -> memref<1x1x2x125xi32, #tpu.memory_space<hbm>>
    %dma_wait3A_53 = tpu.memref_squeeze %dma_wait3A_52 : memref<1x1x2x125xi32, #tpu.memory_space<hbm>> -> memref<2x125xi32, #tpu.memory_space<hbm>>
    %dma_wait3A_54 = arith.constant 0 : i32
    %dma_wait3A_55 = arith.constant 0 : i32
    %dma_wait3A_56 = tpu.memref_slice %arg3[%add3A, %dma_wait3A, %dma_wait3A_54, %dma_wait3A_55] : memref<32x80x2x125xi32, #tpu.memory_space<hbm>> -> memref<1x1x2x125xi32, #tpu.memory_space<hbm>>
    %dma_wait3A_57 = tpu.memref_squeeze %dma_wait3A_56 : memref<1x1x2x125xi32, #tpu.memory_space<hbm>> -> memref<2x125xi32, #tpu.memory_space<hbm>>
    tpu.wait_dma2 semaphore(%arg12 : memref<!tpu.dma_semaphore, #tpu.memory_space<semaphore_mem>>) src(%dma_wait3A_57 : memref<2x125xi32, #tpu.memory_space<hbm>>) dst(%arg5 : memref<2x125xi32, #tpu.memory_space<vmem>>)
    %dma_start3A_58 = arith.constant 0 : i32
    %dma_start3A_59 = arith.constant 0 : i32
    %dma_start3A_60 = tpu.memref_slice %arg5[%dma_start3A_58, %dma_start3A_59] : memref<2x125xi32, #tpu.memory_space<vmem>> -> memref<1x125xi32, #tpu.memory_space<vmem>>
    %dma_start3A_61 = tpu.memref_squeeze %dma_start3A_60 : memref<1x125xi32, #tpu.memory_space<vmem>> -> memref<125xi32, #tpu.memory_space<vmem>>
    %dma_start3A_62 = arith.constant 0 : i32
    %dma_start3A_63 = arith.constant 0 : i32
    %dma_start3A_64 = tpu.memref_slice %arg2[%dma_start3A_62, %dma_start3A_63] : memref<10000x128xf32, #tpu.memory_space<hbm>> -> memref<10000x128xf32, #tpu.memory_space<hbm>>
    tpu.enqueue_indirect_dma source(%dma_start3A_64 : memref<10000x128xf32, #tpu.memory_space<hbm>>) target(%arg9 : memref<125x128xf32, #tpu.memory_space<vmem>>) offsets(%dma_start3A_61 : memref<125xi32, #tpu.memory_space<vmem>>) semaphore(%arg16 : memref<!tpu.dma_semaphore, #tpu.memory_space<semaphore_mem>>)
    %scan3A = arith.constant 0 : i32
    %scan3A_65 = arith.constant 0 : i32
    %scan3A_66 = arith.constant 20 : i32
    %scan3A_67 = arith.addi %scan3A_65, %scan3A_66 : i32
    %scan3A_68 = arith.constant 1 : i32
    %scan3A_69 = scf.for %scan3A_82 = %scan3A_65 to %scan3A_67 step %scan3A_68 iter_args(%scan3A_83 = %scan3A) -> (i32)  : i32 {
      %mul3A_84 = arith.constant 4 : i32
      %mul3A_85 = arith.muli %scan3A_82, %mul3A_84 : i32
      %ge3A = arith.constant 19 : i32
      %ge3A_86 = arith.cmpi sge, %scan3A_82, %ge3A : i32
      %add3A_87 = arith.constant 1 : i32
      %add3A_88 = arith.addi %mul3A_85, %add3A_87 : i32
      %dma_wait3A_89 = arith.constant 0 : i32
      %dma_wait3A_90 = arith.constant 0 : i32
      %dma_wait3A_91 = tpu.memref_slice %arg3[%add3A, %add3A_88, %dma_wait3A_89, %dma_wait3A_90] : memref<32x80x2x125xi32, #tpu.memory_space<hbm>> -> memref<1x1x2x125xi32, #tpu.memory_space<hbm>>
      %dma_wait3A_92 = tpu.memref_squeeze %dma_wait3A_91 : memref<1x1x2x125xi32, #tpu.memory_space<hbm>> -> memref<2x125xi32, #tpu.memory_space<hbm>>
      %dma_wait3A_93 = arith.constant 0 : i32
      %dma_wait3A_94 = arith.constant 0 : i32
      %dma_wait3A_95 = tpu.memref_slice %arg3[%add3A, %add3A_88, %dma_wait3A_93, %dma_wait3A_94] : memref<32x80x2x125xi32, #tpu.memory_space<hbm>> -> memref<1x1x2x125xi32, #tpu.memory_space<hbm>>
      %dma_wait3A_96 = tpu.memref_squeeze %dma_wait3A_95 : memref<1x1x2x125xi32, #tpu.memory_space<hbm>> -> memref<2x125xi32, #tpu.memory_space<hbm>>
      tpu.wait_dma2 semaphore(%arg13 : memref<!tpu.dma_semaphore, #tpu.memory_space<semaphore_mem>>) src(%dma_wait3A_96 : memref<2x125xi32, #tpu.memory_space<hbm>>) dst(%arg6 : memref<2x125xi32, #tpu.memory_space<vmem>>)
      %dma_start3A_97 = arith.constant 0 : i32
      %dma_start3A_98 = arith.constant 0 : i32
      %dma_start3A_99 = tpu.memref_slice %arg6[%dma_start3A_97, %dma_start3A_98] : memref<2x125xi32, #tpu.memory_space<vmem>> -> memref<1x125xi32, #tpu.memory_space<vmem>>
      %dma_start3A_100 = tpu.memref_squeeze %dma_start3A_99 : memref<1x125xi32, #tpu.memory_space<vmem>> -> memref<125xi32, #tpu.memory_space<vmem>>
      %dma_start3A_101 = arith.constant 0 : i32
      %dma_start3A_102 = arith.constant 0 : i32
      %dma_start3A_103 = tpu.memref_slice %arg2[%dma_start3A_101, %dma_start3A_102] : memref<10000x128xf32, #tpu.memory_space<hbm>> -> memref<10000x128xf32, #tpu.memory_space<hbm>>
      tpu.enqueue_indirect_dma source(%dma_start3A_103 : memref<10000x128xf32, #tpu.memory_space<hbm>>) target(%arg10 : memref<125x128xf32, #tpu.memory_space<vmem>>) offsets(%dma_start3A_100 : memref<125xi32, #tpu.memory_space<vmem>>) semaphore(%arg17 : memref<!tpu.dma_semaphore, #tpu.memory_space<semaphore_mem>>)
      %dma_wait3A_104 = arith.constant 0 : i32
      %dma_wait3A_105 = arith.constant 0 : i32
      %dma_wait3A_106 = tpu.memref_slice %arg5[%dma_wait3A_104, %dma_wait3A_105] : memref<2x125xi32, #tpu.memory_space<vmem>> -> memref<1x125xi32, #tpu.memory_space<vmem>>
      %dma_wait3A_107 = tpu.memref_squeeze %dma_wait3A_106 : memref<1x125xi32, #tpu.memory_space<vmem>> -> memref<125xi32, #tpu.memory_space<vmem>>
      %dma_wait3A_108 = arith.constant 0 : i32
      %dma_wait3A_109 = arith.constant 0 : i32
      %dma_wait3A_110 = tpu.memref_slice %arg2[%dma_wait3A_108, %dma_wait3A_109] : memref<10000x128xf32, #tpu.memory_space<hbm>> -> memref<10000x128xf32, #tpu.memory_space<hbm>>
      tpu.wait_indirect_dma semaphore(%arg16 : memref<!tpu.dma_semaphore, #tpu.memory_space<semaphore_mem>>) src(%dma_wait3A_110 : memref<10000x128xf32, #tpu.memory_space<hbm>>) dst(%arg9 : memref<125x128xf32, #tpu.memory_space<vmem>>)
      %run_scoped3A = arith.constant 1 : i32
      "tpu.region"() ({
        %run_scoped3A_189 = tpu.sem_alloc : memref<!tpu.dma_semaphore, #tpu.memory_space<semaphore_mem>>
        %dma_start3A_190 = arith.constant 0 : i32
        %dma_start3A_191 = tpu.memref_slice %arg5[%run_scoped3A, %dma_start3A_190] : memref<2x125xi32, #tpu.memory_space<vmem>> -> memref<1x125xi32, #tpu.memory_space<vmem>>
        %dma_start3A_192 = tpu.memref_squeeze %dma_start3A_191 : memref<1x125xi32, #tpu.memory_space<vmem>> -> memref<125xi32, #tpu.memory_space<vmem>>
        %dma_start3A_193 = arith.constant 0 : i32
        %dma_start3A_194 = arith.constant 0 : i32
        %dma_start3A_195 = tpu.memref_slice %arg11[%dma_start3A_193, %dma_start3A_194] : memref<10000x128xf32, #tpu.memory_space<vmem_shared>> -> memref<10000x128xf32, #tpu.memory_space<vmem_shared>>
        tpu.enqueue_indirect_dma source(%arg9 : memref<125x128xf32, #tpu.memory_space<vmem>>) target(%dma_start3A_195 : memref<10000x128xf32, #tpu.memory_space<vmem_shared>>) offsets(%dma_start3A_192 : memref<125xi32, #tpu.memory_space<vmem>>) semaphore(%run_scoped3A_189 : memref<!tpu.dma_semaphore, #tpu.memory_space<semaphore_mem>>) {add = true}
        %dma_wait3A_196 = arith.constant 0 : i32
        %dma_wait3A_197 = tpu.memref_slice %arg5[%run_scoped3A, %dma_wait3A_196] : memref<2x125xi32, #tpu.memory_space<vmem>> -> memref<1x125xi32, #tpu.memory_space<vmem>>
        %dma_wait3A_198 = tpu.memref_squeeze %dma_wait3A_197 : memref<1x125xi32, #tpu.memory_space<vmem>> -> memref<125xi32, #tpu.memory_space<vmem>>
        %dma_wait3A_199 = arith.constant 0 : i32
        %dma_wait3A_200 = arith.constant 0 : i32
        %dma_wait3A_201 = tpu.memref_slice %arg11[%dma_wait3A_199, %dma_wait3A_200] : memref<10000x128xf32, #tpu.memory_space<vmem_shared>> -> memref<10000x128xf32, #tpu.memory_space<vmem_shared>>
        tpu.wait_indirect_dma semaphore(%run_scoped3A_189 : memref<!tpu.dma_semaphore, #tpu.memory_space<semaphore_mem>>) src(%arg9 : memref<125x128xf32, #tpu.memory_space<vmem>>) dst(%dma_wait3A_201 : memref<10000x128xf32, #tpu.memory_space<vmem_shared>>)
        tpu.yield
      }) : () -> ()
      %not3A = arith.constant true
      %not3A_111 = arith.xori %ge3A_86, %not3A : i1
      %convert_element_type3A_112 = arith.extui %not3A_111 : i1 to i32
      %cond3A_113 = arith.constant 0 : i32
      %cond3A_114 = arith.cmpi ne, %convert_element_type3A_112, %cond3A_113 : i32
      scf.if %cond3A_114 {
        %add3A_189 = arith.constant 4 : i32
        %add3A_190 = arith.addi %mul3A_85, %add3A_189 : i32
        %dma_start3A_191 = arith.constant 0 : i32
        %dma_start3A_192 = arith.constant 0 : i32
        %dma_start3A_193 = tpu.memref_slice %arg3[%add3A, %add3A_190, %dma_start3A_191, %dma_start3A_192] : memref<32x80x2x125xi32, #tpu.memory_space<hbm>> -> memref<1x1x2x125xi32, #tpu.memory_space<hbm>>
        %dma_start3A_194 = tpu.memref_squeeze %dma_start3A_193 : memref<1x1x2x125xi32, #tpu.memory_space<hbm>> -> memref<2x125xi32, #tpu.memory_space<hbm>>
        %dma_start3A_195 = arith.constant 0 : i32
        %dma_start3A_196 = arith.constant 0 : i32
        %dma_start3A_197 = tpu.memref_slice %arg3[%add3A, %add3A_190, %dma_start3A_195, %dma_start3A_196] : memref<32x80x2x125xi32, #tpu.memory_space<hbm>> -> memref<1x1x2x125xi32, #tpu.memory_space<hbm>>
        %dma_start3A_198 = tpu.memref_squeeze %dma_start3A_197 : memref<1x1x2x125xi32, #tpu.memory_space<hbm>> -> memref<2x125xi32, #tpu.memory_space<hbm>>
        tpu.enqueue_dma source(%dma_start3A_198 : memref<2x125xi32, #tpu.memory_space<hbm>>) target(%arg5 : memref<2x125xi32, #tpu.memory_space<vmem>>) target_semaphore(%arg12 : memref<!tpu.dma_semaphore, #tpu.memory_space<semaphore_mem>>)
      } else {
      }
      %add3A_115 = arith.constant 2 : i32
      %add3A_116 = arith.addi %mul3A_85, %add3A_115 : i32
      %dma_wait3A_117 = arith.constant 0 : i32
      %dma_wait3A_118 = arith.constant 0 : i32
      %dma_wait3A_119 = tpu.memref_slice %arg3[%add3A, %add3A_116, %dma_wait3A_117, %dma_wait3A_118] : memref<32x80x2x125xi32, #tpu.memory_space<hbm>> -> memref<1x1x2x125xi32, #tpu.memory_space<hbm>>
      %dma_wait3A_120 = tpu.memref_squeeze %dma_wait3A_119 : memref<1x1x2x125xi32, #tpu.memory_space<hbm>> -> memref<2x125xi32, #tpu.memory_space<hbm>>
      %dma_wait3A_121 = arith.constant 0 : i32
      %dma_wait3A_122 = arith.constant 0 : i32
      %dma_wait3A_123 = tpu.memref_slice %arg3[%add3A, %add3A_116, %dma_wait3A_121, %dma_wait3A_122] : memref<32x80x2x125xi32, #tpu.memory_space<hbm>> -> memref<1x1x2x125xi32, #tpu.memory_space<hbm>>
      %dma_wait3A_124 = tpu.memref_squeeze %dma_wait3A_123 : memref<1x1x2x125xi32, #tpu.memory_space<hbm>> -> memref<2x125xi32, #tpu.memory_space<hbm>>
      tpu.wait_dma2 semaphore(%arg14 : memref<!tpu.dma_semaphore, #tpu.memory_space<semaphore_mem>>) src(%dma_wait3A_124 : memref<2x125xi32, #tpu.memory_space<hbm>>) dst(%arg7 : memref<2x125xi32, #tpu.memory_space<vmem>>)
      %dma_start3A_125 = arith.constant 0 : i32
      %dma_start3A_126 = arith.constant 0 : i32
      %dma_start3A_127 = tpu.memref_slice %arg7[%dma_start3A_125, %dma_start3A_126] : memref<2x125xi32, #tpu.memory_space<vmem>> -> memref<1x125xi32, #tpu.memory_space<vmem>>
      %dma_start3A_128 = tpu.memref_squeeze %dma_start3A_127 : memref<1x125xi32, #tpu.memory_space<vmem>> -> memref<125xi32, #tpu.memory_space<vmem>>
      %dma_start3A_129 = arith.constant 0 : i32
      %dma_start3A_130 = arith.constant 0 : i32
      %dma_start3A_131 = tpu.memref_slice %arg2[%dma_start3A_129, %dma_start3A_130] : memref<10000x128xf32, #tpu.memory_space<hbm>> -> memref<10000x128xf32, #tpu.memory_space<hbm>>
      tpu.enqueue_indirect_dma source(%dma_start3A_131 : memref<10000x128xf32, #tpu.memory_space<hbm>>) target(%arg9 : memref<125x128xf32, #tpu.memory_space<vmem>>) offsets(%dma_start3A_128 : memref<125xi32, #tpu.memory_space<vmem>>) semaphore(%arg16 : memref<!tpu.dma_semaphore, #tpu.memory_space<semaphore_mem>>)
      %dma_wait3A_132 = arith.constant 0 : i32
      %dma_wait3A_133 = arith.constant 0 : i32
      %dma_wait3A_134 = tpu.memref_slice %arg6[%dma_wait3A_132, %dma_wait3A_133] : memref<2x125xi32, #tpu.memory_space<vmem>> -> memref<1x125xi32, #tpu.memory_space<vmem>>
      %dma_wait3A_135 = tpu.memref_squeeze %dma_wait3A_134 : memref<1x125xi32, #tpu.memory_space<vmem>> -> memref<125xi32, #tpu.memory_space<vmem>>
      %dma_wait3A_136 = arith.constant 0 : i32
      %dma_wait3A_137 = arith.constant 0 : i32
      %dma_wait3A_138 = tpu.memref_slice %arg2[%dma_wait3A_136, %dma_wait3A_137] : memref<10000x128xf32, #tpu.memory_space<hbm>> -> memref<10000x128xf32, #tpu.memory_space<hbm>>
      tpu.wait_indirect_dma semaphore(%arg17 : memref<!tpu.dma_semaphore, #tpu.memory_space<semaphore_mem>>) src(%dma_wait3A_138 : memref<10000x128xf32, #tpu.memory_space<hbm>>) dst(%arg10 : memref<125x128xf32, #tpu.memory_space<vmem>>)
      %run_scoped3A_139 = arith.constant 1 : i32
      "tpu.region"() ({
        %run_scoped3A_189 = tpu.sem_alloc : memref<!tpu.dma_semaphore, #tpu.memory_space<semaphore_mem>>
        %dma_start3A_190 = arith.constant 0 : i32
        %dma_start3A_191 = tpu.memref_slice %arg6[%run_scoped3A_139, %dma_start3A_190] : memref<2x125xi32, #tpu.memory_space<vmem>> -> memref<1x125xi32, #tpu.memory_space<vmem>>
        %dma_start3A_192 = tpu.memref_squeeze %dma_start3A_191 : memref<1x125xi32, #tpu.memory_space<vmem>> -> memref<125xi32, #tpu.memory_space<vmem>>
        %dma_start3A_193 = arith.constant 0 : i32
        %dma_start3A_194 = arith.constant 0 : i32
        %dma_start3A_195 = tpu.memref_slice %arg11[%dma_start3A_193, %dma_start3A_194] : memref<10000x128xf32, #tpu.memory_space<vmem_shared>> -> memref<10000x128xf32, #tpu.memory_space<vmem_shared>>
        tpu.enqueue_indirect_dma source(%arg10 : memref<125x128xf32, #tpu.memory_space<vmem>>) target(%dma_start3A_195 : memref<10000x128xf32, #tpu.memory_space<vmem_shared>>) offsets(%dma_start3A_192 : memref<125xi32, #tpu.memory_space<vmem>>) semaphore(%run_scoped3A_189 : memref<!tpu.dma_semaphore, #tpu.memory_space<semaphore_mem>>) {add = true}
        %dma_wait3A_196 = arith.constant 0 : i32
        %dma_wait3A_197 = tpu.memref_slice %arg6[%run_scoped3A_139, %dma_wait3A_196] : memref<2x125xi32, #tpu.memory_space<vmem>> -> memref<1x125xi32, #tpu.memory_space<vmem>>
        %dma_wait3A_198 = tpu.memref_squeeze %dma_wait3A_197 : memref<1x125xi32, #tpu.memory_space<vmem>> -> memref<125xi32, #tpu.memory_space<vmem>>
        %dma_wait3A_199 = arith.constant 0 : i32
        %dma_wait3A_200 = arith.constant 0 : i32
        %dma_wait3A_201 = tpu.memref_slice %arg11[%dma_wait3A_199, %dma_wait3A_200] : memref<10000x128xf32, #tpu.memory_space<vmem_shared>> -> memref<10000x128xf32, #tpu.memory_space<vmem_shared>>
        tpu.wait_indirect_dma semaphore(%run_scoped3A_189 : memref<!tpu.dma_semaphore, #tpu.memory_space<semaphore_mem>>) src(%arg10 : memref<125x128xf32, #tpu.memory_space<vmem>>) dst(%dma_wait3A_201 : memref<10000x128xf32, #tpu.memory_space<vmem_shared>>)
        tpu.yield
      }) : () -> ()
      %not3A_140 = arith.constant true
      %not3A_141 = arith.xori %ge3A_86, %not3A_140 : i1
      %convert_element_type3A_142 = arith.extui %not3A_141 : i1 to i32
      %cond3A_143 = arith.constant 0 : i32
      %cond3A_144 = arith.cmpi ne, %convert_element_type3A_142, %cond3A_143 : i32
      scf.if %cond3A_144 {
        %add3A_189 = arith.constant 5 : i32
        %add3A_190 = arith.addi %mul3A_85, %add3A_189 : i32
        %dma_start3A_191 = arith.constant 0 : i32
        %dma_start3A_192 = arith.constant 0 : i32
        %dma_start3A_193 = tpu.memref_slice %arg3[%add3A, %add3A_190, %dma_start3A_191, %dma_start3A_192] : memref<32x80x2x125xi32, #tpu.memory_space<hbm>> -> memref<1x1x2x125xi32, #tpu.memory_space<hbm>>
        %dma_start3A_194 = tpu.memref_squeeze %dma_start3A_193 : memref<1x1x2x125xi32, #tpu.memory_space<hbm>> -> memref<2x125xi32, #tpu.memory_space<hbm>>
        %dma_start3A_195 = arith.constant 0 : i32
        %dma_start3A_196 = arith.constant 0 : i32
        %dma_start3A_197 = tpu.memref_slice %arg3[%add3A, %add3A_190, %dma_start3A_195, %dma_start3A_196] : memref<32x80x2x125xi32, #tpu.memory_space<hbm>> -> memref<1x1x2x125xi32, #tpu.memory_space<hbm>>
        %dma_start3A_198 = tpu.memref_squeeze %dma_start3A_197 : memref<1x1x2x125xi32, #tpu.memory_space<hbm>> -> memref<2x125xi32, #tpu.memory_space<hbm>>
        tpu.enqueue_dma source(%dma_start3A_198 : memref<2x125xi32, #tpu.memory_space<hbm>>) target(%arg6 : memref<2x125xi32, #tpu.memory_space<vmem>>) target_semaphore(%arg13 : memref<!tpu.dma_semaphore, #tpu.memory_space<semaphore_mem>>)
      } else {
      }
      %add3A_145 = arith.constant 3 : i32
      %add3A_146 = arith.addi %mul3A_85, %add3A_145 : i32
      %dma_wait3A_147 = arith.constant 0 : i32
      %dma_wait3A_148 = arith.constant 0 : i32
      %dma_wait3A_149 = tpu.memref_slice %arg3[%add3A, %add3A_146, %dma_wait3A_147, %dma_wait3A_148] : memref<32x80x2x125xi32, #tpu.memory_space<hbm>> -> memref<1x1x2x125xi32, #tpu.memory_space<hbm>>
      %dma_wait3A_150 = tpu.memref_squeeze %dma_wait3A_149 : memref<1x1x2x125xi32, #tpu.memory_space<hbm>> -> memref<2x125xi32, #tpu.memory_space<hbm>>
      %dma_wait3A_151 = arith.constant 0 : i32
      %dma_wait3A_152 = arith.constant 0 : i32
      %dma_wait3A_153 = tpu.memref_slice %arg3[%add3A, %add3A_146, %dma_wait3A_151, %dma_wait3A_152] : memref<32x80x2x125xi32, #tpu.memory_space<hbm>> -> memref<1x1x2x125xi32, #tpu.memory_space<hbm>>
      %dma_wait3A_154 = tpu.memref_squeeze %dma_wait3A_153 : memref<1x1x2x125xi32, #tpu.memory_space<hbm>> -> memref<2x125xi32, #tpu.memory_space<hbm>>
      tpu.wait_dma2 semaphore(%arg15 : memref<!tpu.dma_semaphore, #tpu.memory_space<semaphore_mem>>) src(%dma_wait3A_154 : memref<2x125xi32, #tpu.memory_space<hbm>>) dst(%arg8 : memref<2x125xi32, #tpu.memory_space<vmem>>)
      %dma_start3A_155 = arith.constant 0 : i32
      %dma_start3A_156 = arith.constant 0 : i32
      %dma_start3A_157 = tpu.memref_slice %arg8[%dma_start3A_155, %dma_start3A_156] : memref<2x125xi32, #tpu.memory_space<vmem>> -> memref<1x125xi32, #tpu.memory_space<vmem>>
      %dma_start3A_158 = tpu.memref_squeeze %dma_start3A_157 : memref<1x125xi32, #tpu.memory_space<vmem>> -> memref<125xi32, #tpu.memory_space<vmem>>
      %dma_start3A_159 = arith.constant 0 : i32
      %dma_start3A_160 = arith.constant 0 : i32
      %dma_start3A_161 = tpu.memref_slice %arg2[%dma_start3A_159, %dma_start3A_160] : memref<10000x128xf32, #tpu.memory_space<hbm>> -> memref<10000x128xf32, #tpu.memory_space<hbm>>
      tpu.enqueue_indirect_dma source(%dma_start3A_161 : memref<10000x128xf32, #tpu.memory_space<hbm>>) target(%arg10 : memref<125x128xf32, #tpu.memory_space<vmem>>) offsets(%dma_start3A_158 : memref<125xi32, #tpu.memory_space<vmem>>) semaphore(%arg17 : memref<!tpu.dma_semaphore, #tpu.memory_space<semaphore_mem>>)
      %dma_wait3A_162 = arith.constant 0 : i32
      %dma_wait3A_163 = arith.constant 0 : i32
      %dma_wait3A_164 = tpu.memref_slice %arg7[%dma_wait3A_162, %dma_wait3A_163] : memref<2x125xi32, #tpu.memory_space<vmem>> -> memref<1x125xi32, #tpu.memory_space<vmem>>
      %dma_wait3A_165 = tpu.memref_squeeze %dma_wait3A_164 : memref<1x125xi32, #tpu.memory_space<vmem>> -> memref<125xi32, #tpu.memory_space<vmem>>
      %dma_wait3A_166 = arith.constant 0 : i32
      %dma_wait3A_167 = arith.constant 0 : i32
      %dma_wait3A_168 = tpu.memref_slice %arg2[%dma_wait3A_166, %dma_wait3A_167] : memref<10000x128xf32, #tpu.memory_space<hbm>> -> memref<10000x128xf32, #tpu.memory_space<hbm>>
      tpu.wait_indirect_dma semaphore(%arg16 : memref<!tpu.dma_semaphore, #tpu.memory_space<semaphore_mem>>) src(%dma_wait3A_168 : memref<10000x128xf32, #tpu.memory_space<hbm>>) dst(%arg9 : memref<125x128xf32, #tpu.memory_space<vmem>>)
      %run_scoped3A_169 = arith.constant 1 : i32
      "tpu.region"() ({
        %run_scoped3A_189 = tpu.sem_alloc : memref<!tpu.dma_semaphore, #tpu.memory_space<semaphore_mem>>
        %dma_start3A_190 = arith.constant 0 : i32
        %dma_start3A_191 = tpu.memref_slice %arg7[%run_scoped3A_169, %dma_start3A_190] : memref<2x125xi32, #tpu.memory_space<vmem>> -> memref<1x125xi32, #tpu.memory_space<vmem>>
        %dma_start3A_192 = tpu.memref_squeeze %dma_start3A_191 : memref<1x125xi32, #tpu.memory_space<vmem>> -> memref<125xi32, #tpu.memory_space<vmem>>
        %dma_start3A_193 = arith.constant 0 : i32
        %dma_start3A_194 = arith.constant 0 : i32
        %dma_start3A_195 = tpu.memref_slice %arg11[%dma_start3A_193, %dma_start3A_194] : memref<10000x128xf32, #tpu.memory_space<vmem_shared>> -> memref<10000x128xf32, #tpu.memory_space<vmem_shared>>
        tpu.enqueue_indirect_dma source(%arg9 : memref<125x128xf32, #tpu.memory_space<vmem>>) target(%dma_start3A_195 : memref<10000x128xf32, #tpu.memory_space<vmem_shared>>) offsets(%dma_start3A_192 : memref<125xi32, #tpu.memory_space<vmem>>) semaphore(%run_scoped3A_189 : memref<!tpu.dma_semaphore, #tpu.memory_space<semaphore_mem>>) {add = true}
        %dma_wait3A_196 = arith.constant 0 : i32
        %dma_wait3A_197 = tpu.memref_slice %arg7[%run_scoped3A_169, %dma_wait3A_196] : memref<2x125xi32, #tpu.memory_space<vmem>> -> memref<1x125xi32, #tpu.memory_space<vmem>>
        %dma_wait3A_198 = tpu.memref_squeeze %dma_wait3A_197 : memref<1x125xi32, #tpu.memory_space<vmem>> -> memref<125xi32, #tpu.memory_space<vmem>>
        %dma_wait3A_199 = arith.constant 0 : i32
        %dma_wait3A_200 = arith.constant 0 : i32
        %dma_wait3A_201 = tpu.memref_slice %arg11[%dma_wait3A_199, %dma_wait3A_200] : memref<10000x128xf32, #tpu.memory_space<vmem_shared>> -> memref<10000x128xf32, #tpu.memory_space<vmem_shared>>
        tpu.wait_indirect_dma semaphore(%run_scoped3A_189 : memref<!tpu.dma_semaphore, #tpu.memory_space<semaphore_mem>>) src(%arg9 : memref<125x128xf32, #tpu.memory_space<vmem>>) dst(%dma_wait3A_201 : memref<10000x128xf32, #tpu.memory_space<vmem_shared>>)
        tpu.yield
      }) : () -> ()
      %not3A_170 = arith.constant true
      %not3A_171 = arith.xori %ge3A_86, %not3A_170 : i1
      %convert_element_type3A_172 = arith.extui %not3A_171 : i1 to i32
      %cond3A_173 = arith.constant 0 : i32
      %cond3A_174 = arith.cmpi ne, %convert_element_type3A_172, %cond3A_173 : i32
      scf.if %cond3A_174 {
        %add3A_189 = arith.constant 6 : i32
        %add3A_190 = arith.addi %mul3A_85, %add3A_189 : i32
        %dma_start3A_191 = arith.constant 0 : i32
        %dma_start3A_192 = arith.constant 0 : i32
        %dma_start3A_193 = tpu.memref_slice %arg3[%add3A, %add3A_190, %dma_start3A_191, %dma_start3A_192] : memref<32x80x2x125xi32, #tpu.memory_space<hbm>> -> memref<1x1x2x125xi32, #tpu.memory_space<hbm>>
        %dma_start3A_194 = tpu.memref_squeeze %dma_start3A_193 : memref<1x1x2x125xi32, #tpu.memory_space<hbm>> -> memref<2x125xi32, #tpu.memory_space<hbm>>
        %dma_start3A_195 = arith.constant 0 : i32
        %dma_start3A_196 = arith.constant 0 : i32
        %dma_start3A_197 = tpu.memref_slice %arg3[%add3A, %add3A_190, %dma_start3A_195, %dma_start3A_196] : memref<32x80x2x125xi32, #tpu.memory_space<hbm>> -> memref<1x1x2x125xi32, #tpu.memory_space<hbm>>
        %dma_start3A_198 = tpu.memref_squeeze %dma_start3A_197 : memref<1x1x2x125xi32, #tpu.memory_space<hbm>> -> memref<2x125xi32, #tpu.memory_space<hbm>>
        tpu.enqueue_dma source(%dma_start3A_198 : memref<2x125xi32, #tpu.memory_space<hbm>>) target(%arg7 : memref<2x125xi32, #tpu.memory_space<vmem>>) target_semaphore(%arg14 : memref<!tpu.dma_semaphore, #tpu.memory_space<semaphore_mem>>)
        %add3A_199 = arith.constant 4 : i32
        %add3A_200 = arith.addi %mul3A_85, %add3A_199 : i32
        %dma_wait3A_201 = arith.constant 0 : i32
        %dma_wait3A_202 = arith.constant 0 : i32
        %dma_wait3A_203 = tpu.memref_slice %arg3[%add3A, %add3A_200, %dma_wait3A_201, %dma_wait3A_202] : memref<32x80x2x125xi32, #tpu.memory_space<hbm>> -> memref<1x1x2x125xi32, #tpu.memory_space<hbm>>
        %dma_wait3A_204 = tpu.memref_squeeze %dma_wait3A_203 : memref<1x1x2x125xi32, #tpu.memory_space<hbm>> -> memref<2x125xi32, #tpu.memory_space<hbm>>
        %dma_wait3A_205 = arith.constant 0 : i32
        %dma_wait3A_206 = arith.constant 0 : i32
        %dma_wait3A_207 = tpu.memref_slice %arg3[%add3A, %add3A_200, %dma_wait3A_205, %dma_wait3A_206] : memref<32x80x2x125xi32, #tpu.memory_space<hbm>> -> memref<1x1x2x125xi32, #tpu.memory_space<hbm>>
        %dma_wait3A_208 = tpu.memref_squeeze %dma_wait3A_207 : memref<1x1x2x125xi32, #tpu.memory_space<hbm>> -> memref<2x125xi32, #tpu.memory_space<hbm>>
        tpu.wait_dma2 semaphore(%arg12 : memref<!tpu.dma_semaphore, #tpu.memory_space<semaphore_mem>>) src(%dma_wait3A_208 : memref<2x125xi32, #tpu.memory_space<hbm>>) dst(%arg5 : memref<2x125xi32, #tpu.memory_space<vmem>>)
        %dma_start3A_209 = arith.constant 0 : i32
        %dma_start3A_210 = arith.constant 0 : i32
        %dma_start3A_211 = tpu.memref_slice %arg5[%dma_start3A_209, %dma_start3A_210] : memref<2x125xi32, #tpu.memory_space<vmem>> -> memref<1x125xi32, #tpu.memory_space<vmem>>
        %dma_start3A_212 = tpu.memref_squeeze %dma_start3A_211 : memref<1x125xi32, #tpu.memory_space<vmem>> -> memref<125xi32, #tpu.memory_space<vmem>>
        %dma_start3A_213 = arith.constant 0 : i32
        %dma_start3A_214 = arith.constant 0 : i32
        %dma_start3A_215 = tpu.memref_slice %arg2[%dma_start3A_213, %dma_start3A_214] : memref<10000x128xf32, #tpu.memory_space<hbm>> -> memref<10000x128xf32, #tpu.memory_space<hbm>>
        tpu.enqueue_indirect_dma source(%dma_start3A_215 : memref<10000x128xf32, #tpu.memory_space<hbm>>) target(%arg9 : memref<125x128xf32, #tpu.memory_space<vmem>>) offsets(%dma_start3A_212 : memref<125xi32, #tpu.memory_space<vmem>>) semaphore(%arg16 : memref<!tpu.dma_semaphore, #tpu.memory_space<semaphore_mem>>)
      } else {
      }
      %dma_wait3A_175 = arith.constant 0 : i32
      %dma_wait3A_176 = arith.constant 0 : i32
      %dma_wait3A_177 = tpu.memref_slice %arg8[%dma_wait3A_175, %dma_wait3A_176] : memref<2x125xi32, #tpu.memory_space<vmem>> -> memref<1x125xi32, #tpu.memory_space<vmem>>
      %dma_wait3A_178 = tpu.memref_squeeze %dma_wait3A_177 : memref<1x125xi32, #tpu.memory_space<vmem>> -> memref<125xi32, #tpu.memory_space<vmem>>
      %dma_wait3A_179 = arith.constant 0 : i32
      %dma_wait3A_180 = arith.constant 0 : i32
      %dma_wait3A_181 = tpu.memref_slice %arg2[%dma_wait3A_179, %dma_wait3A_180] : memref<10000x128xf32, #tpu.memory_space<hbm>> -> memref<10000x128xf32, #tpu.memory_space<hbm>>
      tpu.wait_indirect_dma semaphore(%arg17 : memref<!tpu.dma_semaphore, #tpu.memory_space<semaphore_mem>>) src(%dma_wait3A_181 : memref<10000x128xf32, #tpu.memory_space<hbm>>) dst(%arg10 : memref<125x128xf32, #tpu.memory_space<vmem>>)
      %run_scoped3A_182 = arith.constant 1 : i32
      "tpu.region"() ({
        %run_scoped3A_189 = tpu.sem_alloc : memref<!tpu.dma_semaphore, #tpu.memory_space<semaphore_mem>>
        %dma_start3A_190 = arith.constant 0 : i32
        %dma_start3A_191 = tpu.memref_slice %arg8[%run_scoped3A_182, %dma_start3A_190] : memref<2x125xi32, #tpu.memory_space<vmem>> -> memref<1x125xi32, #tpu.memory_space<vmem>>
        %dma_start3A_192 = tpu.memref_squeeze %dma_start3A_191 : memref<1x125xi32, #tpu.memory_space<vmem>> -> memref<125xi32, #tpu.memory_space<vmem>>
        %dma_start3A_193 = arith.constant 0 : i32
        %dma_start3A_194 = arith.constant 0 : i32
        %dma_start3A_195 = tpu.memref_slice %arg11[%dma_start3A_193, %dma_start3A_194] : memref<10000x128xf32, #tpu.memory_space<vmem_shared>> -> memref<10000x128xf32, #tpu.memory_space<vmem_shared>>
        tpu.enqueue_indirect_dma source(%arg10 : memref<125x128xf32, #tpu.memory_space<vmem>>) target(%dma_start3A_195 : memref<10000x128xf32, #tpu.memory_space<vmem_shared>>) offsets(%dma_start3A_192 : memref<125xi32, #tpu.memory_space<vmem>>) semaphore(%run_scoped3A_189 : memref<!tpu.dma_semaphore, #tpu.memory_space<semaphore_mem>>) {add = true}
        %dma_wait3A_196 = arith.constant 0 : i32
        %dma_wait3A_197 = tpu.memref_slice %arg8[%run_scoped3A_182, %dma_wait3A_196] : memref<2x125xi32, #tpu.memory_space<vmem>> -> memref<1x125xi32, #tpu.memory_space<vmem>>
        %dma_wait3A_198 = tpu.memref_squeeze %dma_wait3A_197 : memref<1x125xi32, #tpu.memory_space<vmem>> -> memref<125xi32, #tpu.memory_space<vmem>>
        %dma_wait3A_199 = arith.constant 0 : i32
        %dma_wait3A_200 = arith.constant 0 : i32
        %dma_wait3A_201 = tpu.memref_slice %arg11[%dma_wait3A_199, %dma_wait3A_200] : memref<10000x128xf32, #tpu.memory_space<vmem_shared>> -> memref<10000x128xf32, #tpu.memory_space<vmem_shared>>
        tpu.wait_indirect_dma semaphore(%run_scoped3A_189 : memref<!tpu.dma_semaphore, #tpu.memory_space<semaphore_mem>>) src(%arg10 : memref<125x128xf32, #tpu.memory_space<vmem>>) dst(%dma_wait3A_201 : memref<10000x128xf32, #tpu.memory_space<vmem_shared>>)
        tpu.yield
      }) : () -> ()
      %not3A_183 = arith.constant true
      %not3A_184 = arith.xori %ge3A_86, %not3A_183 : i1
      %convert_element_type3A_185 = arith.extui %not3A_184 : i1 to i32
      %cond3A_186 = arith.constant 0 : i32
      %cond3A_187 = arith.cmpi ne, %convert_element_type3A_185, %cond3A_186 : i32
      scf.if %cond3A_187 {
        %add3A_189 = arith.constant 7 : i32
        %add3A_190 = arith.addi %mul3A_85, %add3A_189 : i32
        %dma_start3A_191 = arith.constant 0 : i32
        %dma_start3A_192 = arith.constant 0 : i32
        %dma_start3A_193 = tpu.memref_slice %arg3[%add3A, %add3A_190, %dma_start3A_191, %dma_start3A_192] : memref<32x80x2x125xi32, #tpu.memory_space<hbm>> -> memref<1x1x2x125xi32, #tpu.memory_space<hbm>>
        %dma_start3A_194 = tpu.memref_squeeze %dma_start3A_193 : memref<1x1x2x125xi32, #tpu.memory_space<hbm>> -> memref<2x125xi32, #tpu.memory_space<hbm>>
        %dma_start3A_195 = arith.constant 0 : i32
        %dma_start3A_196 = arith.constant 0 : i32
        %dma_start3A_197 = tpu.memref_slice %arg3[%add3A, %add3A_190, %dma_start3A_195, %dma_start3A_196] : memref<32x80x2x125xi32, #tpu.memory_space<hbm>> -> memref<1x1x2x125xi32, #tpu.memory_space<hbm>>
        %dma_start3A_198 = tpu.memref_squeeze %dma_start3A_197 : memref<1x1x2x125xi32, #tpu.memory_space<hbm>> -> memref<2x125xi32, #tpu.memory_space<hbm>>
        tpu.enqueue_dma source(%dma_start3A_198 : memref<2x125xi32, #tpu.memory_space<hbm>>) target(%arg8 : memref<2x125xi32, #tpu.memory_space<vmem>>) target_semaphore(%arg15 : memref<!tpu.dma_semaphore, #tpu.memory_space<semaphore_mem>>)
      } else {
      }
      %scan3A_188 = arith.constant 0 : i32
      scf.yield %scan3A_188 : i32
    }
    %scan3A_70 = arith.constant 20 : i32
    %barrier3A_71 = arith.constant 0 : index
    tpu.barrier barrier_id(%barrier3A_71)
    %lt3A_72 = arith.constant 15 : i32
    %lt3A_73 = arith.cmpi slt, %arg1, %lt3A_72 : i32
    %convert_element_type3A_74 = arith.extui %lt3A_73 : i1 to i32
    %cond3A_75 = arith.constant 0 : i32
    %cond3A_76 = arith.cmpi ne, %convert_element_type3A_74, %cond3A_75 : i32
    scf.if %cond3A_76 {
      "tpu.region"() ({
        %run_scoped3A = tpu.sem_alloc : memref<!tpu.dma_semaphore, #tpu.memory_space<semaphore_mem>>
        %dma_start3A_82 = arith.constant 0 : i32
        %dma_start3A_83 = tpu.memref_slice %arg4[%multiple_of3A_8, %dma_start3A_82] : memref<20000x128xf32, #tpu.memory_space<hbm>> -> memref<632x128xf32, #tpu.memory_space<hbm>>
        %dma_start3A_84 = arith.constant 0 : i32
        %dma_start3A_85 = tpu.memref_slice %arg11[%multiple_of3A, %dma_start3A_84] : memref<10000x128xf32, #tpu.memory_space<vmem_shared>> -> memref<632x128xf32, #tpu.memory_space<vmem_shared>>
        tpu.enqueue_dma source(%dma_start3A_85 : memref<632x128xf32, #tpu.memory_space<vmem_shared>>) target(%dma_start3A_83 : memref<632x128xf32, #tpu.memory_space<hbm>>) target_semaphore(%run_scoped3A : memref<!tpu.dma_semaphore, #tpu.memory_space<semaphore_mem>>)
        %dma_wait3A_86 = arith.constant 0 : i32
        %dma_wait3A_87 = tpu.memref_slice %arg4[%multiple_of3A_8, %dma_wait3A_86] : memref<20000x128xf32, #tpu.memory_space<hbm>> -> memref<632x128xf32, #tpu.memory_space<hbm>>
        %dma_wait3A_88 = arith.constant 0 : i32
        %dma_wait3A_89 = tpu.memref_slice %arg11[%multiple_of3A, %dma_wait3A_88] : memref<10000x128xf32, #tpu.memory_space<vmem_shared>> -> memref<632x128xf32, #tpu.memory_space<vmem_shared>>
        tpu.wait_dma2 semaphore(%run_scoped3A : memref<!tpu.dma_semaphore, #tpu.memory_space<semaphore_mem>>) src(%dma_wait3A_89 : memref<632x128xf32, #tpu.memory_space<vmem_shared>>) dst(%dma_wait3A_87 : memref<632x128xf32, #tpu.memory_space<hbm>>)
        tpu.yield
      }) : () -> ()
    } else {
    }
    %eq3A_77 = arith.constant 15 : i32
    %eq3A_78 = arith.cmpi eq, %arg1, %eq3A_77 : i32
    %convert_element_type3A_79 = arith.extui %eq3A_78 : i1 to i32
    %cond3A_80 = arith.constant 0 : i32
    %cond3A_81 = arith.cmpi ne, %convert_element_type3A_79, %cond3A_80 : i32
    scf.if %cond3A_81 {
      "tpu.region"() ({
        %run_scoped3A = tpu.sem_alloc : memref<!tpu.dma_semaphore, #tpu.memory_space<semaphore_mem>>
        %dma_start3A_82 = arith.constant 0 : i32
        %dma_start3A_83 = tpu.memref_slice %arg4[%multiple_of3A_8, %dma_start3A_82] : memref<20000x128xf32, #tpu.memory_space<hbm>> -> memref<520x128xf32, #tpu.memory_space<hbm>>
        %dma_start3A_84 = arith.constant 0 : i32
        %dma_start3A_85 = tpu.memref_slice %arg11[%multiple_of3A, %dma_start3A_84] : memref<10000x128xf32, #tpu.memory_space<vmem_shared>> -> memref<520x128xf32, #tpu.memory_space<vmem_shared>>
        tpu.enqueue_dma source(%dma_start3A_85 : memref<520x128xf32, #tpu.memory_space<vmem_shared>>) target(%dma_start3A_83 : memref<520x128xf32, #tpu.memory_space<hbm>>) target_semaphore(%run_scoped3A : memref<!tpu.dma_semaphore, #tpu.memory_space<semaphore_mem>>)
        %dma_wait3A_86 = arith.constant 0 : i32
        %dma_wait3A_87 = tpu.memref_slice %arg4[%multiple_of3A_8, %dma_wait3A_86] : memref<20000x128xf32, #tpu.memory_space<hbm>> -> memref<520x128xf32, #tpu.memory_space<hbm>>
        %dma_wait3A_88 = arith.constant 0 : i32
        %dma_wait3A_89 = tpu.memref_slice %arg11[%multiple_of3A, %dma_wait3A_88] : memref<10000x128xf32, #tpu.memory_space<vmem_shared>> -> memref<520x128xf32, #tpu.memory_space<vmem_shared>>
        tpu.wait_dma2 semaphore(%run_scoped3A : memref<!tpu.dma_semaphore, #tpu.memory_space<semaphore_mem>>) src(%dma_wait3A_89 : memref<520x128xf32, #tpu.memory_space<vmem_shared>>) dst(%dma_wait3A_87 : memref<520x128xf32, #tpu.memory_space<hbm>>)
        tpu.yield
      }) : () -> ()
    } else {
    }
    return
  }
}

module attributes {stable_mosaic.version = 14 : i64} {
  func.func @_lin1_body(%arg0: i32, %arg1: memref<2000x1xf32, #tpu.memory_space<vmem>>, %arg2: memref<2000x1xf32, #tpu.memory_space<vmem>>, %arg3: memref<2000x128xf32, #tpu.memory_space<vmem>>, %arg4: memref<128x128xf32, #tpu.memory_space<vmem>>, %arg5: memref<2000x128xf32, #tpu.memory_space<vmem>>, %arg6: memref<2000x1xf32, #tpu.memory_space<vmem>>) attributes {dimension_semantics = [#tpu.dimension_semantics<arbitrary>], iteration_bounds = array<i64: 5>, scalar_prefetch = 0 : i64, scratch_operands = 0 : i64, tpu.core_type = #tpu.core_type<tc>, window_params = [{transform_indices = @transform_0, window_bounds = array<i64: 2000, 1>}, {transform_indices = @transform_1, window_bounds = array<i64: 2000, 1>}, {transform_indices = @transform_2, window_bounds = array<i64: 2000, 128>}, {pipeline_mode = #tpu.pipeline_mode<synchronous>, transform_indices = @transform_3, window_bounds = array<i64: 128, 128>}, {transform_indices = @transform_4, window_bounds = array<i64: 2000, 128>}, {transform_indices = @transform_5, window_bounds = array<i64: 2000, 1>}]} {
    %get3A = arith.constant 0 : index
    %get3A_0 = arith.constant 0 : index
    %get3A_1 = vector.load %arg1[%get3A, %get3A_0] : memref<2000x1xf32, #tpu.memory_space<vmem>>, vector<2000x1xf32>
    %get3A_2 = arith.constant 0 : index
    %get3A_3 = arith.constant 0 : index
    %get3A_4 = vector.load %arg2[%get3A_2, %get3A_3] : memref<2000x1xf32, #tpu.memory_space<vmem>>, vector<2000x1xf32>
    %add3A = arith.addf %get3A_1, %get3A_4 : vector<2000x1xf32>
    %add3A_5 = arith.constant 1.000000e+00 : f32
    %add3A_6 = vector.broadcast %add3A_5 : f32 to vector<2000x1xf32>
    %add3A_7 = arith.addf %add3A, %add3A_6 : vector<2000x1xf32>
    %rsqrt3A = math.rsqrt %add3A_7 : vector<2000x1xf32>
    %get3A_8 = arith.constant 0 : index
    %get3A_9 = arith.constant 0 : index
    %get3A_10 = vector.load %arg3[%get3A_8, %get3A_9] : memref<2000x128xf32, #tpu.memory_space<vmem>>, vector<2000x128xf32>
    %get3A_11 = arith.constant 0 : index
    %get3A_12 = arith.constant 0 : index
    %get3A_13 = vector.load %arg4[%get3A_11, %get3A_12] : memref<128x128xf32, #tpu.memory_space<vmem>>, vector<128x128xf32>
    %dot_general3A = arith.constant dense<0.000000e+00> : vector<2000x128xf32>
    %dot_general3A_14 = tpu.matmul %get3A_10, %get3A_13, %dot_general3A {dimension_numbers = #tpu.dot_dimension_numbers<[1], [0], [0], [1], [0, 0, 1, 1], [], []>, transpose_lhs_hint = false} : vector<2000x128xf32>, vector<128x128xf32>, vector<2000x128xf32> -> vector<2000x128xf32>
    %mul3A = vector.broadcast %rsqrt3A : vector<2000x1xf32> to vector<2000x128xf32>
    %mul3A_15 = arith.mulf %dot_general3A_14, %mul3A : vector<2000x128xf32>
    %swap3A = arith.constant 0 : index
    %swap3A_16 = arith.constant 0 : index
    %swap3A_17 = vector.load %arg5[%swap3A, %swap3A_16] : memref<2000x128xf32, #tpu.memory_space<vmem>>, vector<2000x128xf32>
    tpu.vector_store %arg5[%swap3A, %swap3A_16], %mul3A_15 {strides = array<i32>} : memref<2000x128xf32, #tpu.memory_space<vmem>>, vector<2000x128xf32>,
    %swap3A_18 = arith.constant 0 : index
    %swap3A_19 = arith.constant 0 : index
    %swap3A_20 = vector.load %arg6[%swap3A_18, %swap3A_19] : memref<2000x1xf32, #tpu.memory_space<vmem>>, vector<2000x1xf32>
    tpu.vector_store %arg6[%swap3A_18, %swap3A_19], %rsqrt3A {strides = array<i32>} : memref<2000x1xf32, #tpu.memory_space<vmem>>, vector<2000x1xf32>,
    return
  }
  func.func @transform_0(%arg0: i32) -> (i32, i32) {
    %c0_i32 = arith.constant 0 : i32
    %c0_i32_0 = arith.constant 0 : i32
    return %arg0, %c0_i32 : i32, i32
  }
  func.func @transform_1(%arg0: i32) -> (i32, i32) {
    %c0_i32 = arith.constant 0 : i32
    %c0_i32_0 = arith.constant 0 : i32
    return %arg0, %c0_i32 : i32, i32
  }
  func.func @transform_2(%arg0: i32) -> (i32, i32) {
    %c0_i32 = arith.constant 0 : i32
    %c0_i32_0 = arith.constant 0 : i32
    return %arg0, %c0_i32 : i32, i32
  }
  func.func @transform_3(%arg0: i32) -> (i32, i32) {
    %c0_i32 = arith.constant 0 : i32
    %c0_i32_0 = arith.constant 0 : i32
    %c0_i32_1 = arith.constant 0 : i32
    return %c0_i32, %c0_i32_0 : i32, i32
  }
  func.func @transform_4(%arg0: i32) -> (i32, i32) {
    %c0_i32 = arith.constant 0 : i32
    %c0_i32_0 = arith.constant 0 : i32
    return %arg0, %c0_i32 : i32, i32
  }
  func.func @transform_5(%arg0: i32) -> (i32, i32) {
    %c0_i32 = arith.constant 0 : i32
    %c0_i32_0 = arith.constant 0 : i32
    return %arg0, %c0_i32 : i32, i32
  }
}

module attributes {stable_mosaic.version = 14 : i64} {
  func.func @_lin2_body(%arg0: i32, %arg1: memref<2000x128xf32, #tpu.memory_space<vmem>>, %arg2: memref<2000x128xf32, #tpu.memory_space<vmem>>, %arg3: memref<2000x128xf32, #tpu.memory_space<vmem>>, %arg4: memref<2000x1xf32, #tpu.memory_space<vmem>>, %arg5: memref<1x128xf32, #tpu.memory_space<vmem>>, %arg6: memref<128x128xf32, #tpu.memory_space<vmem>>, %arg7: memref<2000x128xf32, #tpu.memory_space<vmem>>) attributes {dimension_semantics = [#tpu.dimension_semantics<arbitrary>], iteration_bounds = array<i64: 5>, scalar_prefetch = 0 : i64, scratch_operands = 0 : i64, tpu.core_type = #tpu.core_type<tc>, window_params = [{transform_indices = @transform_0, window_bounds = array<i64: 2000, 128>}, {transform_indices = @transform_1, window_bounds = array<i64: 2000, 128>}, {transform_indices = @transform_2, window_bounds = array<i64: 2000, 128>}, {transform_indices = @transform_3, window_bounds = array<i64: 2000, 1>}, {pipeline_mode = #tpu.pipeline_mode<synchronous>, transform_indices = @transform_4, window_bounds = array<i64: 1, 128>}, {pipeline_mode = #tpu.pipeline_mode<synchronous>, transform_indices = @transform_5, window_bounds = array<i64: 128, 128>}, {transform_indices = @transform_6, window_bounds = array<i64: 2000, 128>}]} {
    %get3A = arith.constant 0 : index
    %get3A_0 = arith.constant 0 : index
    %get3A_1 = vector.load %arg4[%get3A, %get3A_0] : memref<2000x1xf32, #tpu.memory_space<vmem>>, vector<2000x1xf32>
    %get3A_2 = arith.constant 0 : index
    %get3A_3 = arith.constant 0 : index
    %get3A_4 = vector.load %arg1[%get3A_2, %get3A_3] : memref<2000x128xf32, #tpu.memory_space<vmem>>, vector<2000x128xf32>
    %get3A_5 = arith.constant 0 : index
    %get3A_6 = arith.constant 0 : index
    %get3A_7 = vector.load %arg2[%get3A_5, %get3A_6] : memref<2000x128xf32, #tpu.memory_space<vmem>>, vector<2000x128xf32>
    %add3A = arith.addf %get3A_4, %get3A_7 : vector<2000x128xf32>
    %get3A_8 = arith.constant 0 : index
    %get3A_9 = arith.constant 0 : index
    %get3A_10 = vector.load %arg3[%get3A_8, %get3A_9] : memref<2000x128xf32, #tpu.memory_space<vmem>>, vector<2000x128xf32>
    %sub3A = arith.subf %add3A, %get3A_10 : vector<2000x128xf32>
    %mul3A = vector.broadcast %get3A_1 : vector<2000x1xf32> to vector<2000x128xf32>
    %mul3A_11 = arith.mulf %sub3A, %mul3A : vector<2000x128xf32>
    %get3A_12 = arith.constant 0 : index
    %get3A_13 = arith.constant 0 : index
    %get3A_14 = vector.load %arg5[%get3A_12, %get3A_13] : memref<1x128xf32, #tpu.memory_space<vmem>>, vector<1x128xf32>
    %add3A_15 = vector.broadcast %get3A_14 : vector<1x128xf32> to vector<2000x128xf32>
    %add3A_16 = arith.addf %mul3A_11, %add3A_15 : vector<2000x128xf32>
    %max3A = arith.constant 0.000000e+00 : f32
    %max3A_17 = vector.broadcast %max3A : f32 to vector<2000x128xf32>
    %max3A_18 = arith.maximumf %add3A_16, %max3A_17 : vector<2000x128xf32>
    %get3A_19 = arith.constant 0 : index
    %get3A_20 = arith.constant 0 : index
    %get3A_21 = vector.load %arg6[%get3A_19, %get3A_20] : memref<128x128xf32, #tpu.memory_space<vmem>>, vector<128x128xf32>
    %dot_general3A = arith.constant dense<0.000000e+00> : vector<2000x128xf32>
    %dot_general3A_22 = tpu.matmul %max3A_18, %get3A_21, %dot_general3A {dimension_numbers = #tpu.dot_dimension_numbers<[1], [0], [0], [1], [0, 0, 1, 1], [], []>, transpose_lhs_hint = false} : vector<2000x128xf32>, vector<128x128xf32>, vector<2000x128xf32> -> vector<2000x128xf32>
    %mul3A_23 = vector.broadcast %get3A_1 : vector<2000x1xf32> to vector<2000x128xf32>
    %mul3A_24 = arith.mulf %dot_general3A_22, %mul3A_23 : vector<2000x128xf32>
    %swap3A = arith.constant 0 : index
    %swap3A_25 = arith.constant 0 : index
    %swap3A_26 = vector.load %arg7[%swap3A, %swap3A_25] : memref<2000x128xf32, #tpu.memory_space<vmem>>, vector<2000x128xf32>
    tpu.vector_store %arg7[%swap3A, %swap3A_25], %mul3A_24 {strides = array<i32>} : memref<2000x128xf32, #tpu.memory_space<vmem>>, vector<2000x128xf32>,
    return
  }
  func.func @transform_0(%arg0: i32) -> (i32, i32) {
    %c0_i32 = arith.constant 0 : i32
    %c0_i32_0 = arith.constant 0 : i32
    return %arg0, %c0_i32 : i32, i32
  }
  func.func @transform_1(%arg0: i32) -> (i32, i32) {
    %add3A = arith.constant 5 : i32
    %add3A_0 = arith.addi %arg0, %add3A : i32
    %c0_i32 = arith.constant 0 : i32
    %c0_i32_1 = arith.constant 0 : i32
    return %add3A_0, %c0_i32 : i32, i32
  }
  func.func @transform_2(%arg0: i32) -> (i32, i32) {
    %c0_i32 = arith.constant 0 : i32
    %c0_i32_0 = arith.constant 0 : i32
    return %arg0, %c0_i32 : i32, i32
  }
  func.func @transform_3(%arg0: i32) -> (i32, i32) {
    %c0_i32 = arith.constant 0 : i32
    %c0_i32_0 = arith.constant 0 : i32
    return %arg0, %c0_i32 : i32, i32
  }
  func.func @transform_4(%arg0: i32) -> (i32, i32) {
    %c0_i32 = arith.constant 0 : i32
    %c0_i32_0 = arith.constant 0 : i32
    %c0_i32_1 = arith.constant 0 : i32
    return %c0_i32, %c0_i32_0 : i32, i32
  }
  func.func @transform_5(%arg0: i32) -> (i32, i32) {
    %c0_i32 = arith.constant 0 : i32
    %c0_i32_0 = arith.constant 0 : i32
    %c0_i32_1 = arith.constant 0 : i32
    return %c0_i32, %c0_i32_0 : i32, i32
  }
  func.func @transform_6(%arg0: i32) -> (i32, i32) {
    %c0_i32 = arith.constant 0 : i32
    %c0_i32_0 = arith.constant 0 : i32
    return %arg0, %c0_i32 : i32, i32
  }
}

module attributes {stable_mosaic.version = 14 : i64} {
  func.func @_pool_body(%arg0: i32, %arg1: memref<65xi32, #tpu.memory_space<smem>>, %arg2: memref<10000x128xf32, #tpu.memory_space<vmem>>, %arg3: memref<10000x128xf32, #tpu.memory_space<vmem>>, %arg4: memref<10000x128xf32, #tpu.memory_space<vmem>>, %arg5: memref<10000x1xf32, #tpu.memory_space<vmem>>, %arg6: memref<1x128xf32, #tpu.memory_space<vmem>>, %arg7: memref<128x2xf32, #tpu.memory_space<vmem>>, %arg8: memref<1x2xf32, #tpu.memory_space<vmem>>, %arg9: memref<64x2xf32, #tpu.memory_space<vmem>>, %arg10: memref<10000x128xf32, #tpu.memory_space<vmem>>, %arg11: memref<64x128xf32, #tpu.memory_space<vmem>>) attributes {dimension_semantics = [#tpu.dimension_semantics<arbitrary>], iteration_bounds = array<i64: 1>, scalar_prefetch = 0 : i64, scratch_operands = 2 : i64, tpu.core_type = #tpu.core_type<tc>, window_params = [{transform_indices = @transform_0, window_bounds = array<i64: 65>}, {transform_indices = @transform_1, window_bounds = array<i64: 10000, 128>}, {transform_indices = @transform_2, window_bounds = array<i64: 10000, 128>}, {pipeline_mode = #tpu.pipeline_mode<synchronous>, transform_indices = @transform_3, window_bounds = array<i64: 10000, 128>}, {pipeline_mode = #tpu.pipeline_mode<synchronous>, transform_indices = @transform_4, window_bounds = array<i64: 10000, 1>}, {pipeline_mode = #tpu.pipeline_mode<synchronous>, transform_indices = @transform_5, window_bounds = array<i64: 1, 128>}, {pipeline_mode = #tpu.pipeline_mode<synchronous>, transform_indices = @transform_6, window_bounds = array<i64: 128, 2>}, {pipeline_mode = #tpu.pipeline_mode<synchronous>, transform_indices = @transform_7, window_bounds = array<i64: 1, 2>}, {pipeline_mode = #tpu.pipeline_mode<synchronous>, transform_indices = @transform_8, window_bounds = array<i64: 64, 2>}]} {
    %get3A = arith.constant 0 : index
    %get3A_0 = arith.constant 0 : index
    %get3A_1 = vector.load %arg2[%get3A, %get3A_0] : memref<10000x128xf32, #tpu.memory_space<vmem>>, vector<10000x128xf32>
    %get3A_2 = arith.constant 0 : index
    %get3A_3 = arith.constant 0 : index
    %get3A_4 = vector.load %arg3[%get3A_2, %get3A_3] : memref<10000x128xf32, #tpu.memory_space<vmem>>, vector<10000x128xf32>
    %add3A = arith.addf %get3A_1, %get3A_4 : vector<10000x128xf32>
    %get3A_5 = arith.constant 0 : index
    %get3A_6 = arith.constant 0 : index
    %get3A_7 = vector.load %arg4[%get3A_5, %get3A_6] : memref<10000x128xf32, #tpu.memory_space<vmem>>, vector<10000x128xf32>
    %sub3A = arith.subf %add3A, %get3A_7 : vector<10000x128xf32>
    %get3A_8 = arith.constant 0 : index
    %get3A_9 = arith.constant 0 : index
    %get3A_10 = vector.load %arg5[%get3A_8, %get3A_9] : memref<10000x1xf32, #tpu.memory_space<vmem>>, vector<10000x1xf32>
    %mul3A = vector.broadcast %get3A_10 : vector<10000x1xf32> to vector<10000x128xf32>
    %mul3A_11 = arith.mulf %sub3A, %mul3A : vector<10000x128xf32>
    %get3A_12 = arith.constant 0 : index
    %get3A_13 = arith.constant 0 : index
    %get3A_14 = vector.load %arg6[%get3A_12, %get3A_13] : memref<1x128xf32, #tpu.memory_space<vmem>>, vector<1x128xf32>
    %add3A_15 = vector.broadcast %get3A_14 : vector<1x128xf32> to vector<10000x128xf32>
    %add3A_16 = arith.addf %mul3A_11, %add3A_15 : vector<10000x128xf32>
    %max3A = arith.constant 0.000000e+00 : f32
    %max3A_17 = vector.broadcast %max3A : f32 to vector<10000x128xf32>
    %max3A_18 = arith.maximumf %add3A_16, %max3A_17 : vector<10000x128xf32>
    %swap3A = arith.constant 0 : index
    %swap3A_19 = arith.constant 0 : index
    %swap3A_20 = vector.load %arg10[%swap3A, %swap3A_19] : memref<10000x128xf32, #tpu.memory_space<vmem>>, vector<10000x128xf32>
    tpu.vector_store %arg10[%swap3A, %swap3A_19], %max3A_18 {strides = array<i32>} : memref<10000x128xf32, #tpu.memory_space<vmem>>, vector<10000x128xf32>,
    %iota3A = tpu.iota {dimensions = array<i32: 0>} : vector<8x1xi32>
    %scan3A = arith.constant 0xFF800000 : f32
    %scan3A_21 = arith.constant 0 : i32
    %scan3A_22 = arith.constant 64 : i32
    %scan3A_23 = arith.addi %scan3A_21, %scan3A_22 : i32
    %scan3A_24 = arith.constant 1 : i32
    scf.for %scan3A_41 = %scan3A_21 to %scan3A_23 step %scan3A_24  : i32 {
      %get3A_42 = arith.index_cast %scan3A_41 : i32 to index
      %get3A_43 = memref.load %arg1[%get3A_42] : memref<65xi32, #tpu.memory_space<smem>>
      %add3A_44 = arith.constant 1 : i32
      %add3A_45 = arith.addi %scan3A_41, %add3A_44 : i32
      %get3A_46 = arith.index_cast %add3A_45 : i32 to index
      %get3A_47 = memref.load %arg1[%get3A_46] : memref<65xi32, #tpu.memory_space<smem>>
      %jit3A = arith.constant 8 : i32
      %div3A = arith.divsi %get3A_43, %jit3A : i32
      %sign3A = arith.constant 0 : i32
      %sign3A_48 = arith.cmpi sgt, %get3A_43, %sign3A : i32
      %sign3A_49 = arith.extui %sign3A_48 : i1 to i32
      %sign3A_50 = arith.constant 0 : i32
      %sign3A_51 = arith.cmpi slt, %get3A_43, %sign3A_50 : i32
      %sign3A_52 = arith.extui %sign3A_51 : i1 to i32
      %sign3A_53 = arith.subi %sign3A_49, %sign3A_52 : i32
      %sign3A_54 = arith.constant 0 : i32
      %sign3A_55 = arith.cmpi sgt, %jit3A, %sign3A_54 : i32
      %sign3A_56 = arith.extui %sign3A_55 : i1 to i32
      %sign3A_57 = arith.constant 0 : i32
      %sign3A_58 = arith.cmpi slt, %jit3A, %sign3A_57 : i32
      %sign3A_59 = arith.extui %sign3A_58 : i1 to i32
      %sign3A_60 = arith.subi %sign3A_56, %sign3A_59 : i32
      %ne3A = arith.cmpi ne, %sign3A_53, %sign3A_60 : i32
      %rem3A = arith.remsi %get3A_43, %jit3A : i32
      %ne3A_61 = arith.constant 0 : i32
      %ne3A_62 = arith.cmpi ne, %rem3A, %ne3A_61 : i32
      %and3A = arith.andi %ne3A, %ne3A_62 : i1
      %sub3A_63 = arith.constant 1 : i32
      %sub3A_64 = arith.subi %div3A, %sub3A_63 : i32
      %select_n3A = arith.select %and3A, %sub3A_64, %div3A : i32
      %add3A_65 = arith.constant 7 : i32
      %add3A_66 = arith.addi %get3A_47, %add3A_65 : i32
      %jit3A_67 = arith.constant 8 : i32
      %div3A_68 = arith.divsi %add3A_66, %jit3A_67 : i32
      %sign3A_69 = arith.constant 0 : i32
      %sign3A_70 = arith.cmpi sgt, %add3A_66, %sign3A_69 : i32
      %sign3A_71 = arith.extui %sign3A_70 : i1 to i32
      %sign3A_72 = arith.constant 0 : i32
      %sign3A_73 = arith.cmpi slt, %add3A_66, %sign3A_72 : i32
      %sign3A_74 = arith.extui %sign3A_73 : i1 to i32
      %sign3A_75 = arith.subi %sign3A_71, %sign3A_74 : i32
      %sign3A_76 = arith.constant 0 : i32
      %sign3A_77 = arith.cmpi sgt, %jit3A_67, %sign3A_76 : i32
      %sign3A_78 = arith.extui %sign3A_77 : i1 to i32
      %sign3A_79 = arith.constant 0 : i32
      %sign3A_80 = arith.cmpi slt, %jit3A_67, %sign3A_79 : i32
      %sign3A_81 = arith.extui %sign3A_80 : i1 to i32
      %sign3A_82 = arith.subi %sign3A_78, %sign3A_81 : i32
      %ne3A_83 = arith.cmpi ne, %sign3A_75, %sign3A_82 : i32
      %rem3A_84 = arith.remsi %add3A_66, %jit3A_67 : i32
      %ne3A_85 = arith.constant 0 : i32
      %ne3A_86 = arith.cmpi ne, %rem3A_84, %ne3A_85 : i32
      %and3A_87 = arith.andi %ne3A_83, %ne3A_86 : i1
      %sub3A_88 = arith.constant 1 : i32
      %sub3A_89 = arith.subi %div3A_68, %sub3A_88 : i32
      %select_n3A_90 = arith.select %and3A_87, %sub3A_89, %div3A_68 : i32
      %broadcast_in_dim3A = vector.broadcast %scan3A : f32 to vector<8x128xf32>
      %while3A = arith.subi %select_n3A_90, %select_n3A : i32
      %while3A_91 = arith.addi %select_n3A, %while3A : i32
      %while3A_92 = arith.constant 1 : i32
      %while3A_93 = arith.divsi %while3A, %while3A_92 : i32
      %while3A_94 = arith.muli %while3A_93, %while3A_92 : i32
      %while3A_95 = arith.addi %select_n3A, %while3A_94 : i32
      %while3A_96 = arith.constant 1 : i32
      %while3A_97 = scf.for %while3A_105 = %select_n3A to %while3A_95 step %while3A_96 iter_args(%while3A_106 = %broadcast_in_dim3A) -> (vector<8x128xf32>)  : i32 {
        %mul3A_107 = arith.constant 8 : i32
        %mul3A_108 = arith.muli %while3A_105, %mul3A_107 : i32
        %add3A_109 = vector.broadcast %mul3A_108 : i32 to vector<8x1xi32>
        %add3A_110 = arith.addi %add3A_109, %iota3A : vector<8x1xi32>
        %ge3A = vector.broadcast %get3A_43 : i32 to vector<8x1xi32>
        %ge3A_111 = arith.cmpi sge, %add3A_110, %ge3A : vector<8x1xi32>
        %lt3A = vector.broadcast %get3A_47 : i32 to vector<8x1xi32>
        %lt3A_112 = arith.cmpi slt, %add3A_110, %lt3A : vector<8x1xi32>
        %and3A_113 = arith.andi %ge3A_111, %lt3A_112 : vector<8x1xi1>
        %mul3A_114 = arith.constant 8 : i32
        %mul3A_115 = arith.muli %while3A_105, %mul3A_114 : i32
        %get3A_116 = arith.index_cast %mul3A_115 : i32 to index
        %get3A_117 = arith.constant 0 : index
        %get3A_118 = vector.load %arg10[%get3A_116, %get3A_117] : memref<10000x128xf32, #tpu.memory_space<vmem>>, vector<8x128xf32>
        %broadcast_in_dim3A_119 = vector.shape_cast %and3A_113 : vector<8x1xi1> to vector<8x1xi1>
        %broadcast_in_dim3A_120 = vector.broadcast %broadcast_in_dim3A_119 : vector<8x1xi1> to vector<8x128xi1>
        %broadcast_in_dim3A_121 = vector.broadcast %scan3A : f32 to vector<8x128xf32>
        %select_n3A_122 = arith.select %broadcast_in_dim3A_120, %get3A_118, %broadcast_in_dim3A_121 : vector<8x128xi1>, vector<8x128xf32>
        %max3A_123 = arith.maximumf %while3A_106, %select_n3A_122 : vector<8x128xf32>
        scf.yield %max3A_123 : vector<8x128xf32>
      }
      %while3A_98 = arith.constant 1 : i32
      %while3A_99 = scf.for %while3A_105 = %while3A_95 to %while3A_91 step %while3A_98 iter_args(%while3A_106 = %while3A_97) -> (vector<8x128xf32>)  : i32 {
        %mul3A_107 = arith.constant 8 : i32
        %mul3A_108 = arith.muli %while3A_105, %mul3A_107 : i32
        %add3A_109 = vector.broadcast %mul3A_108 : i32 to vector<8x1xi32>
        %add3A_110 = arith.addi %add3A_109, %iota3A : vector<8x1xi32>
        %ge3A = vector.broadcast %get3A_43 : i32 to vector<8x1xi32>
        %ge3A_111 = arith.cmpi sge, %add3A_110, %ge3A : vector<8x1xi32>
        %lt3A = vector.broadcast %get3A_47 : i32 to vector<8x1xi32>
        %lt3A_112 = arith.cmpi slt, %add3A_110, %lt3A : vector<8x1xi32>
        %and3A_113 = arith.andi %ge3A_111, %lt3A_112 : vector<8x1xi1>
        %mul3A_114 = arith.constant 8 : i32
        %mul3A_115 = arith.muli %while3A_105, %mul3A_114 : i32
        %get3A_116 = arith.index_cast %mul3A_115 : i32 to index
        %get3A_117 = arith.constant 0 : index
        %get3A_118 = vector.load %arg10[%get3A_116, %get3A_117] : memref<10000x128xf32, #tpu.memory_space<vmem>>, vector<8x128xf32>
        %broadcast_in_dim3A_119 = vector.shape_cast %and3A_113 : vector<8x1xi1> to vector<8x1xi1>
        %broadcast_in_dim3A_120 = vector.broadcast %broadcast_in_dim3A_119 : vector<8x1xi1> to vector<8x128xi1>
        %broadcast_in_dim3A_121 = vector.broadcast %scan3A : f32 to vector<8x128xf32>
        %select_n3A_122 = arith.select %broadcast_in_dim3A_120, %get3A_118, %broadcast_in_dim3A_121 : vector<8x128xi1>, vector<8x128xf32>
        %max3A_123 = arith.maximumf %while3A_106, %select_n3A_122 : vector<8x128xf32>
        scf.yield %max3A_123 : vector<8x128xf32>
      }
      %reduce_max3A = arith.constant dense<0xFF800000> : vector<128xf32>
      %reduce_max3A_100 = vector.multi_reduction <maximumf>, %while3A_99, %reduce_max3A [0] : vector<8x128xf32> to vector<128xf32>
      %broadcast_in_dim3A_101 = vector.shape_cast %reduce_max3A_100 : vector<128xf32> to vector<1x128xf32>
      %swap3A_102 = arith.index_cast %scan3A_41 : i32 to index
      %swap3A_103 = arith.constant 0 : index
      %swap3A_104 = vector.load %arg11[%swap3A_102, %swap3A_103] : memref<64x128xf32, #tpu.memory_space<vmem>>, vector<1x128xf32>
      tpu.vector_store %arg11[%swap3A_102, %swap3A_103], %broadcast_in_dim3A_101 {strides = array<i32>} : memref<64x128xf32, #tpu.memory_space<vmem>>, vector<1x128xf32>,
    }
    %scan3A_25 = arith.constant 64 : i32
    %get3A_26 = arith.constant 0 : index
    %get3A_27 = arith.constant 0 : index
    %get3A_28 = vector.load %arg11[%get3A_26, %get3A_27] : memref<64x128xf32, #tpu.memory_space<vmem>>, vector<64x128xf32>
    %get3A_29 = arith.constant 0 : index
    %get3A_30 = arith.constant 0 : index
    %get3A_31 = vector.load %arg7[%get3A_29, %get3A_30] : memref<128x2xf32, #tpu.memory_space<vmem>>, vector<128x2xf32>
    %dot_general3A = arith.constant dense<0.000000e+00> : vector<64x2xf32>
    %dot_general3A_32 = tpu.matmul %get3A_28, %get3A_31, %dot_general3A {dimension_numbers = #tpu.dot_dimension_numbers<[1], [0], [0], [1], [0, 0, 1, 1], [], []>, transpose_lhs_hint = false} : vector<64x128xf32>, vector<128x2xf32>, vector<64x2xf32> -> vector<64x2xf32>
    %get3A_33 = arith.constant 0 : index
    %get3A_34 = arith.constant 0 : index
    %get3A_35 = vector.load %arg8[%get3A_33, %get3A_34] : memref<1x2xf32, #tpu.memory_space<vmem>>, vector<1x2xf32>
    %add3A_36 = vector.broadcast %get3A_35 : vector<1x2xf32> to vector<64x2xf32>
    %add3A_37 = arith.addf %dot_general3A_32, %add3A_36 : vector<64x2xf32>
    %swap3A_38 = arith.constant 0 : index
    %swap3A_39 = arith.constant 0 : index
    %swap3A_40 = vector.load %arg9[%swap3A_38, %swap3A_39] : memref<64x2xf32, #tpu.memory_space<vmem>>, vector<64x2xf32>
    tpu.vector_store %arg9[%swap3A_38, %swap3A_39], %add3A_37 {strides = array<i32>} : memref<64x2xf32, #tpu.memory_space<vmem>>, vector<64x2xf32>,
    return
  }
  func.func @transform_0(%arg0: i32) -> i32 {
    %c0_i32 = arith.constant 0 : i32
    %c0_i32_0 = arith.constant 0 : i32
    return %c0_i32 : i32
  }
  func.func @transform_1(%arg0: i32) -> (i32, i32) {
    %c0_i32 = arith.constant 0 : i32
    %c0_i32_0 = arith.constant 0 : i32
    %c0_i32_1 = arith.constant 0 : i32
    return %c0_i32, %c0_i32_0 : i32, i32
  }
  func.func @transform_2(%arg0: i32) -> (i32, i32) {
    %c1_i32 = arith.constant 1 : i32
    %c0_i32 = arith.constant 0 : i32
    %c0_i32_0 = arith.constant 0 : i32
    return %c1_i32, %c0_i32 : i32, i32
  }
  func.func @transform_3(%arg0: i32) -> (i32, i32) {
    %c0_i32 = arith.constant 0 : i32
    %c0_i32_0 = arith.constant 0 : i32
    %c0_i32_1 = arith.constant 0 : i32
    return %c0_i32, %c0_i32_0 : i32, i32
  }
  func.func @transform_4(%arg0: i32) -> (i32, i32) {
    %c0_i32 = arith.constant 0 : i32
    %c0_i32_0 = arith.constant 0 : i32
    %c0_i32_1 = arith.constant 0 : i32
    return %c0_i32, %c0_i32_0 : i32, i32
  }
  func.func @transform_5(%arg0: i32) -> (i32, i32) {
    %c0_i32 = arith.constant 0 : i32
    %c0_i32_0 = arith.constant 0 : i32
    %c0_i32_1 = arith.constant 0 : i32
    return %c0_i32, %c0_i32_0 : i32, i32
  }
  func.func @transform_6(%arg0: i32) -> (i32, i32) {
    %c0_i32 = arith.constant 0 : i32
    %c0_i32_0 = arith.constant 0 : i32
    %c0_i32_1 = arith.constant 0 : i32
    return %c0_i32, %c0_i32_0 : i32, i32
  }
  func.func @transform_7(%arg0: i32) -> (i32, i32) {
    %c0_i32 = arith.constant 0 : i32
    %c0_i32_0 = arith.constant 0 : i32
    %c0_i32_1 = arith.constant 0 : i32
    return %c0_i32, %c0_i32_0 : i32, i32
  }
  func.func @transform_8(%arg0: i32) -> (i32, i32) {
    %c0_i32 = arith.constant 0 : i32
    %c0_i32_0 = arith.constant 0 : i32
    %c0_i32_1 = arith.constant 0 : i32
    return %c0_i32, %c0_i32_0 : i32, i32
  }
}

</mosaic_0001>

<sc_bundles>
// kernel: kernel.11.cloned.1.call-start
scs
__scs_entry_jumppad:
0x0: {  	(pc) =	sbr.rel $0x88, $3  }
0x1: {  	(tag) =	ssettag $0x0;
	lr =	simm.s32 $0x1  }
0x2: {  	[smem:$0x3F96] =	sst lr;
	_ =	strace $0xD0000000  }
0x3: {  	_ = 	snop  }
0x4: {  	_ = 	snop  }
0x5: {  	_ = 	snop  }
0x6: {  	_ = 	snop  }
0x7: {  	_ = 	snop  }
__scs_overlays_trampoline_lowered:
0x8: {  	[smem:$0x3FA5] =	sst s0  }
0x9: {  	[smem:$0x3FA6] =	sst s1  }
0xa: {  	[smem:$0x3FA7] =	sst s2  }
0xb: {  	[smem:$0x3FA8] =	sst s3  }
0xc: {  	[smem:$0x3FA9] =	sst s4  }
0xd: {  	[smem:$0x3FAA] =	sst s5  }
0xe: {  	[smem:$0x3FAB] =	sst s6  }
0xf: {  	[smem:$0x3FAC] =	sst s7  }
0x10: {  	[smem:$0x3FAD] =	sst s8  }
0x11: {  	[smem:$0x3FAE] =	sst s9;
	s0 =	simm.s32 @!p0 $0x0  }
0x12: {  	s1 =	sld [smem:$0x3F94];
	s0 =	simm.s32 @p0 $0x1  }
0x13: {  	[smem:$0x3FAF] =	sst s0;
	s0 =	simm.s32 @!p1 $0x0  }
0x14: {  	s2 =	sld [smem:$0x3F93];
	s0 =	simm.s32 @p1 $0x1  }
0x15: {  	[smem:$0x3FB0] =	sst s0;
	s0 =	simm.s32 @!p2 $0x0  }
0x16: {  	s3 =	sld [smem:$0x3FDB];
	s0 =	simm.s32 @p2 $0x1  }
0x17: {  	s4 =	simm.s32 $0x1BF5;
	[smem:$0x3FB2] =	sst s0  }
0x18: {  	s0 =	sld [smem:$0x3F95];
	_ =	swait.ge [sflag:s4], $0x0  }
0x19: {  	s7 =	sld [smem:$0x3F96]  }
0x1a: {  	s8 =	sadd.s32 $0xFFFFE003, lr  }
0x1b: {  	s9 =	sadd.s32 $0xFFFFFEF7, lr;
	s5 =	simm.s32 $0xFFFFFFFF;
	p2 =	slt.u32 s8, $0xFFFFF086  }
0x1c: {  	p1 =	slt.u32 s9, $0xF7A;
	s5 =	simm.s32 @!p2 $0x0  }
0x1d: {  	s5 =	simm.s32 @p1 $0x1;
	p0 =	seq.s32 s7, s2  }
0x1e: {  	s7 =	smul.u32 @!p0 $0xF7A, s2;
	p2 =	seq.s32 @!p0 s5, $0x0  }
0x1f: {  	s9 =	smul.u32 $0xF7A, s1;
	s8 =	simm.s32 @!p0 $0x1BF5;
	p2 =	por !p2, p0  }
0x20: {  	[sflag:s8] =	ssyncset.s32 @!p0 $0xFFFFF086;
	s6 =	sadd.s32 @!p0 s3, s7;
	s7 =	simm.s32 @!p0 $0x108  }
0x21: {  	s3 =	sadd.s32 s3, s9;
	s6 =	sadd.s32 @!p0 $0x88, s6;
	s7 =	simm.s32 @p2 $0x1082  }
0x22: {  	[simem:s7], [sflag:s8] =	dma.local @!p0 [hbm:s6], $0xF7A  }
0x23: {  	s9 =	sor.u32 $0xD0000000, s2;
	s6 =	simm.s32 $0x108;
	_ =	swait.ge @!p0 [sflag:s8], $0x0  }
0x24: {  	s3 =	sadd.s32 $0x88, s3;
	s6 =	simm.s32 @!p1 $0x1082;
	[sflag:s4] =	ssyncset.s32 $0xFFFFF086  }
0x25: {  	[simem:s6], [sflag:s4] =	dma.local [hbm:s3], $0xF7A  }
0x26: {  	[smem:$0x3F96] =	sst s1;
	(tag) =	ssettag s2;
	_ =	strace s9  }
0x27: {  	s1 =	sld [smem:$0x3FA6]  }
0x28: {  	s2 =	sld [smem:$0x3FA7]  }
0x29: {  	s4 =	sld [smem:$0x3FA9]  }
0x2a: {  	p0 =	seq.s32 s5, $0x0;
	s5 =	sld [smem:$0x3FAA]  }
0x2b: {  	s6 =	sld [smem:$0x3FAB]  }
0x2c: {  	s7 =	sld [smem:$0x3FAC]  }
0x2d: {  	s3 =	simm.s32 $0x108;
	s8 =	sld [smem:$0x3FAD]  }
0x2e: {  	s3 =	simm.s32 @!p0 $0x1082;
	s9 =	sld [smem:$0x3FAE]  }
0x2f: {  	lr =	sadd.s32 s0, s3;
	s0 =	sld [smem:$0x3FA5]  }
0x30: {  	s3 =	sld [smem:$0x3FA8]  }
0x31: {  	[smem:$0x3FB1] =	sst s10  }
0x32: {  	s10 =	sld [smem:$0x3FAF];
	_ =	sdelay $0x3  }
0x33: {  	p0 =	seq.s32 s10, $0x1;
	s10 =	sld [smem:$0x3FB1];
	_ =	sdelay $0x3  }
0x34: {  	[smem:$0x3FB1] =	sst s10  }
0x35: {  	s10 =	sld [smem:$0x3FB0];
	_ =	sdelay $0x3  }
0x36: {  	p1 =	seq.s32 s10, $0x1;
	s10 =	sld [smem:$0x3FB1];
	_ =	sdelay $0x3  }
0x37: {  	[smem:$0x3FB1] =	sst s10  }
0x38: {  	s10 =	sld [smem:$0x3FB2]  }
0x39: {  	_ = 	snop;
	(pc) =	sbr.ind lr, $3  }
0x3a: {  	_ = 	snop  }
0x3b: {  	_ = 	snop  }
0x3c: {  	p2 =	seq.s32 s10, $0x1;
	s10 =	sld [smem:$0x3FB1]  }
0x3d: {  	_ =	shalt  }
0x3e: {  	_ =	shalt  }
0x3f: {  	_ =	shalt  }
0x40: {  	_ =	shalt  }
0x41: {  	_ =	shalt  }
0x42: {  	_ =	shalt  }
0x43: {  	_ =	shalt  }
0x44: {  	_ =	shalt  }
0x45: {  	_ =	shalt  }
0x46: {  	_ =	shalt  }
0x47: {  	_ =	shalt  }
0x48: {  	_ =	shalt  }
0x49: {  	_ =	shalt  }
0x4a: {  	_ =	shalt  }
0x4b: {  	_ =	shalt  }
0x4c: {  	_ =	shalt  }
0x4d: {  	_ =	shalt  }
0x4e: {  	_ =	shalt  }
0x4f: {  	_ =	shalt  }
0x50: {  	_ =	shalt  }
0x51: {  	_ =	shalt  }
0x52: {  	_ =	shalt  }
0x53: {  	_ =	shalt  }
0x54: {  	_ =	shalt  }
0x55: {  	_ =	shalt  }
0x56: {  	_ =	shalt  }
0x57: {  	_ =	shalt  }
0x58: {  	_ =	shalt  }
0x59: {  	_ =	shalt  }
0x5a: {  	_ =	shalt  }
0x5b: {  	_ =	shalt  }
0x5c: {  	_ =	shalt  }
0x5d: {  	_ =	shalt  }
0x5e: {  	_ =	shalt  }
0x5f: {  	_ =	shalt  }
0x60: {  	_ =	shalt  }
0x61: {  	_ =	shalt  }
0x62: {  	_ =	shalt  }
0x63: {  	_ =	shalt  }
0x64: {  	_ =	shalt  }
0x65: {  	_ =	shalt  }
0x66: {  	_ =	shalt  }
0x67: {  	_ =	shalt  }
0x68: {  	_ =	shalt  }
0x69: {  	_ =	shalt  }
0x6a: {  	_ =	shalt  }
0x6b: {  	_ =	shalt  }
0x6c: {  	_ =	shalt  }
0x6d: {  	_ =	shalt  }
0x6e: {  	_ =	shalt  }
0x6f: {  	_ =	shalt  }
0x70: {  	_ =	shalt  }
0x71: {  	_ =	shalt  }
0x72: {  	_ =	shalt  }
0x73: {  	_ =	shalt  }
0x74: {  	_ =	shalt  }
0x75: {  	_ =	shalt  }
0x76: {  	_ =	shalt  }
0x77: {  	_ =	shalt  }
0x78: {  	_ =	shalt  }
0x79: {  	_ =	shalt  }
0x7a: {  	_ =	shalt  }
0x7b: {  	_ =	shalt  }
0x7c: {  	_ =	shalt  }
0x7d: {  	_ =	shalt  }
0x7e: {  	_ =	shalt  }
0x7f: {  	_ =	shalt  }
0x80: {  	_ =	shalt  }
0x81: {  	_ =	shalt  }
0x82: {  	_ =	shalt  }
0x83: {  	_ =	shalt  }
0x84: {  	_ =	shalt  }
0x85: {  	_ =	shalt  }
0x86: {  	_ =	shalt  }
0x87: {  	_ =	shalt  }
.Lfunc_end0:
.L_simem_size_0:
called_computation.1_lowered:
.L_overlay_start_0:
0x88: {  	s2 =	sld [smem:$0x3FD9]  }
0x89: {  	s3 =	sld [smem:$0x3FFE];
	_ =	sdelay $0x1  }
0x8a: {  	s1 =	srdreg.scid  }
0x8b: {  	s0 =	sand.u32 $0x1, s1  }
0x8c: {  	s16 =	sshll.u32 s0, $0xA;
	s2 =	sadd.s32 s3, s2  }
0x8d: {  	s2 =	sadd.s32 s2, s16  }
0x8e: {  	[smem:$0x3FBD] =	sst s2  }
0x8f: {  	_ = 	snop  }
0x90: {  	(tm) =	ssettm $0x1  }
0x91: {  	s17 =	sld [smem:$0x3FFB];
	_ =	sdelay $0x3  }
0x92: {  	_ =	strace s17  }
0x93: {  	s2 =	sld [smem:$0x3FFC];
	_ =	sdelay $0x3  }
0x94: {  	_ =	strace s2  }
0x95: {  	s2 =	sld [smem:$0x3FFD];
	_ =	sdelay $0x3  }
0x96: {  	_ =	strace s2  }
0x97: {  	_ =	strace $0x8FFFFFFF  }
0x98: {  	s18 =	sld [smem:$0x3FDB];
	_ =	sdelay $0x1  }
0x99: {  	s19 =	simm.s32 $_scs_section_size  }
0x9a: {  	s4 =	simm.s32 $_size__tile_overlayer_lowered;
	s5 =	simm.s32 $_tile_overlayer_lowered  }
0x9b: {  	s22 =	simm.s32 $0x1BFF;
	s21 =	sshll.u32 s5, $0x1;
	s2 =	sadd.s32 s19, s18  }
0x9c: {  	s6 =	simm.s32 $0x0;
	s20 =	sshll.u32 s4, $0x1;
	s4 =	sadd.s32 s21, s2  }
0x9d: {  	[timem:s6], [sflag:s22] =	dma.local [hbm:s4], s20  }
0x9e: {  	_ =	swait.ge [sflag:s22], s20  }
0x9f: {  	s3 =	ssub.s32 $0x0, s20;
	[sflag:s22] =	ssyncset.done $0x0  }
0xa0: {  	[sflag:s22] =	ssyncadd.s32 s3;
	_ =	sdelay $0x1  }
0xa1: {  	s23 =	simm.s32 $0x1B8B  }
0xa2: {  	_ =	swait.ge [sflag:s23], $0x1  }
0xa3: {  	[sflag:s23] =	ssyncset.done $0x0  }
0xa4: {  	s25 =	simm.s32 $0x1B8E;
	s24 =	sld [smem:$0x3FFE];
	[sflag:s23] =	ssyncadd.s32 $0xFFFFFFFF  }
0xa5: {  	s26 =	simm.s32 $execute0_lowered;
	[smem:$0x3FD2] =	sst s25  }
0xa6: {  	s4 =	sshll.u32 s26, $0x1;
	_ =	strace $0x80000049;
	[dreg:$0x1] =	wrdreg $0xFFFFFFFF  }
0xa7: {  	s28 =	simm.s32 $_size_execute0_lowered;
	s2 =	sadd.s32 s2, s4;
	[dreg:$0x0] =	wrdreg $0x0  }
0xa8: {  	s4 =	sshll.u32 s28, $0x1;
	[dreg:$0x2] =	wrdreg s2  }
0xa9: {  	[dreg:$0x3] =	wrdreg s4  }
0xaa: {  	[dreg:$0x4] =	wrdreg $0xC0  }
0xab: {  	_ =	task [dreg:s6], $0x5FFFF  }
0xac: {  	[dreg:$0x1] =	wrdreg $0xFFFFFFFF  }
0xad: {  	[dreg:$0x0] =	wrdreg $0x60  }
0xae: {  	[dreg:$0x2] =	wrdreg s24  }
0xaf: {  	[dreg:$0x3] =	wrdreg $0x84000  }
0xb0: {  	[dreg:$0x4] =	wrdreg $0x9  }
0xb1: {  	_ =	task.clear_ibuf [dreg:s6], $0x5FFFF;
	_ =	strace $0x90000049  }
0xb2: {  	s29 =	simm.s32 $0x9;
	_ =	strace $0x8000004B  }
0xb3: {  	_ =	swait.ge [sflag:s29], $0x1  }
0xb4: {  	[sflag:s29] =	ssyncadd.s32 $0xFFFFFFFF  }
0xb5: {  	_ =	strace $0x9000004B  }
0xb6: {  	_ =	sfence  }
0xb7: {  	s30 =	sld [smem:$0x0];
	_ =	sdelay $0x2  }
0xb8: {  	s31 =	sshll.u32 s1, $0xD;
	s1 =	sshrl.u32 s1, $0x2  }
0xb9: {  	s3 =	sand.u32 $0x4000, s31;
	s1 =	sadd.s32 s1, s30  }
0xba: {  	s0 =	sor.u32 s3, s0;
	s1 =	sshll.u32 s1, $0x11  }
0xbb: {  	s0 =	sor.u32 s1, s0  }
0xbc: {  	s0 =	sadd.s32 $0x8F2B, s0  }
0xbd: {  	[sflag:s0] =	ssyncadd.remote.s32 $0x1  }
0xbe: {  	_ =	sfence.sel $0xFFFF  }
0xbf: {  	[dreg:$0x0] =	wrdreg $0xFFFFFFFF;
	(pc) =	sbr.abs _section_cstart, $3  }
0xc0: {  	[dreg:$0x1] =	wrdreg $0xFFFFFFFF  }
0xc1: {  	_ =	task.clear_ibuf [dreg:s6], $0x2FFFF;
	_ =	strace $0x9FFFFFFF  }
0xc2: {  	(tm) =	ssettm $0x7FFFFFFF  }
0xc3: {  	_ =	shalt  }
tec
execute0_lowered:
.L_overlay_start_1:
0x0: {  	(tag) =	ssettag $0x1  }
0x1: {  	s0 =	rddreg [dreg:$0x0]  }
0x2: {  	s2 =	rddreg [dreg:$0x1];
	s1 =	srdreg.scid  }
0x3: {  	s12 =	stileid.u32;
	s3 =	simm.s32 $0x0;
	s28 =	simm.s32 $0x4400  }
0x4: {  	s29 =	simm.s32 $0x5;
	s30 =	simm.s32 $0x80;
	s5 =	smul.u32 $0x278, s12  }
0x5: {  	s31 =	simm.s32 $0x7;
	s1 =	sand.u32 $0x1, s1;
	s8 =	smul.u32 $0x4F000, s12  }
0x6: {  	[smem:$0x7FF] =	sst s3;
	s4 =	sadd.s32 $0x21400, s0;
	s10 =	smul.u32 $0x2780, s12  }
0x7: {  	s7 =	sadd.s32 $0xD400, s0;
	s17 =	smul.u32 $0x5000, s12;
	p0 =	seq.s32 s12, $0xF  }
0x8: {  	s6 =	smul.u32 $0x2710, s1;
	_ =	strace $0x8000004A;
	s9 =	ssub.s32 $0x2, s1  }
0x9: {  	s16 =	sshll.u32 s1, $0x4;
	s1 =	smul.u32 $0x50000, s1;
	s11 =	sshrl.u32 s9, $0x1  }
0xa: {  	s8 =	sshrl.u32 s8, $0x2;
	s10 =	sadd.s32 s4, s10;
	s5 =	sadd.s32 s5, s6  }
0xb: {  	s6 =	sor.u32 s12, s16;
	s9 =	ssub.s32 s9, s11;
	s8 =	sadd.s32 s8, s2  }
0xc: {  	[dreg:$0x3] =	wrdreg s10;
	s10 =	sadd.s32 $0x128400, s2;
	s19 =	sadd.s32 s17, s1  }
0xd: {  	s5 =	sshll.u32 s5, $0x4;
	s6 =	smul.u32 $0x5000, s6;
	s22 =	sor.u32 $0x700, s19  }
0xe: {  	s23 =	sor.u32 $0x600, s19;
	s24 =	smax.u32 s9, $0x1;
	s26 =	sor.u32 $0x500, s19  }
0xf: {  	s17 =	sshrl.u32 @p0 s10, $0x3;
	s9 =	simm.s32 $0x380;
	s10 =	simm.s32 $0x0  }
0x10: {  	s5 =	sadd.s32 s5, s0;
	s0 =	sadd.s32 $0x46480, s0;
	s1 =	sshrl.u32 s22, $0x3  }
0x11: {  	[dreg:$0xa] =	wrdreg s24;
	s25 =	sshrl.u32 s23, $0x3;
	s22 =	simm.s32 $0x300  }
0x12: {  	s23 =	simm.s32 $0x1;
	s24 =	simm.s32 $0x7D;
	[dreg:$0xc] =	wrdreg s17  }
0x13: {  	s6 =	sshrl.u32 s6, $0x3;
	[dreg:$0x5] =	wrdreg s0;
	s5 =	sadd.s32 $0x48600, s5  }
0x14: {  	s13 =	sadd.s32 s1, s7;
	s14 =	sadd.s32 s25, s7;
	s0 =	sor.u32 $0x400, s19  }
0x15: {  	s1 =	sshrl.u32 s26, $0x3;
	s25 =	simm.s32 $0x400;
	s26 =	simm.s32 $0x2  }
0x16: {  	s6 =	sadd.s32 s7, s6;
	[dreg:$0x9] =	wrdreg s5;
	s0 =	sshrl.u32 s0, $0x3  }
0x17: {  	s15 =	sadd.s32 s1, s7;
	s1 =	simm.s32 $0x6;
	s5 =	simm.s32 $0x180  }
0x18: {  	s18 =	sadd.s32 $0x20, s6;
	s20 =	sadd.s32 $0x40, s6;
	[dreg:$0x4] =	wrdreg s6  }
.Ltmp0:
0x19: {  	s21 =	sadd.s32 $0x60, s6;
	[dreg:$0x6] =	wrdreg s18;
	(pc) =	sbr.rel .LBB2_1-.Ltmp0, $4  }
0x1a: {  	s16 =	sadd.s32 s0, s7;
	s0 =	sshll.u32 @!p0 s12, $0x6;
	[dreg:$0x7] =	wrdreg s20  }
0x1b: {  	s7 =	simm.s32 $0x4;
	[dreg:$0x8] =	wrdreg s21;
	s11 =	sor.u32 @!p0 $0x1C07, s0  }
0x1c: {  	s18 =	sshrl.u32 @!p0 s8, $0x3;
	s20 =	simm.s32 $0x100;
	s21 =	simm.s32 $0x200  }
0x1d: {  	s0 =	simm.s32 $0x3;
	s8 =	simm.s32 $0x280;
	[dreg:$0xb] =	wrdreg s18  }
.LBB2_4:
0x1e: {  	_ =	swait.ge [sflag:s1], $0x3E80  }
0x1f: {  	[sflag:s1] =	ssyncset.done $0x0  }
0x20: {  	[sflag:s1] =	ssyncadd.s32 $0xFFFFC180  }
0x21: {  	[spmem:s2] =	stream.indirect.scatter.add.f32 [tilespmem:s28], [sflag:$0x7], $0x80, s9, s24, $0xb8;
	[tilespmem:$0x1BC80] =	vst v63  }
0x22: {  	_ =	swait.ge [sflag:s31], $0x3E80  }
0x23: {  	[sflag:s31] =	ssyncset.done $0x0  }
0x24: {  	[sflag:s31] =	ssyncadd.s32 $0xFFFFC180  }
0x25: {  	[bflag:$0x0] =	sbarrier.arrive $0xFFFF  }
0x26: {  	s11 =	rddreg [dreg:$0x9]  }
0x27: {  	s6 =	simm.s32 @p0 $0x1FC7;
	s17 =	rddreg [dreg:$0xc]  }
0x28: {  	[hbm:s11], [sflag:s6] =	dma.local @p0 [spmem:s17], $0x2080  }
0x29: {  	s6 =	simm.s32 @p0 $0x7  }
0x2a: {  	_ =	swait.ge @p0 [sflag:s6], $0x2080  }
0x2b: {  	[sflag:s6] =	ssyncset.done @p0 $0x0  }
0x2c: {  	s18 =	rddreg [dreg:$0xb];
	[sflag:s6] =	ssyncadd.s32 @p0 $0xFFFFDF80;
	s6 =	simm.s32 @!p0 $0x7  }
0x2d: {  	[hbm:s11], [sflag:s19] =	dma.local @!p0 [spmem:s18], $0x2780  }
0x2e: {  	_ =	swait.ge @!p0 [sflag:s6], $0x2780  }
0x2f: {  	s10 =	sadd.s32 $0x1, s10;
	s12 =	rddreg [dreg:$0xa]  }
0x30: {  	p1 =	sne.s32 s10, s12  }
.Ltmp1:
0x31: {  	_ = 	snop;
	(pc) =	sbr.rel @!p1 .LBB2_5-.Ltmp1, $3  }
0x32: {  	_ =	sdelay $0x1  }
0x33: {  	[sflag:s6] =	ssyncset.done @!p0 $0x0  }
0x34: {  	s11 =	smov.u32 s19;
	[sflag:s6] =	ssyncadd.s32 @!p0 $0xFFFFD880  }
.LBB2_1:
0x35: {  	s12 =	simm.s32 @p0 $0x1FC7;
	s6 =	rddreg [dreg:$0x5]  }
0x36: {  	[spmem:s17], [sflag:s12] =	dma.local @p0 [hbm:s6], $0x2080  }
0x37: {  	s12 =	simm.s32 @p0 $0x7  }
0x38: {  	_ =	swait.ge @p0 [sflag:s12], $0x2080  }
0x39: {  	[sflag:s12] =	ssyncset.done @p0 $0x0  }
0x3a: {  	s6 =	rddreg [dreg:$0x3];
	[sflag:s12] =	ssyncadd.s32 @p0 $0xFFFFDF80;
	s12 =	simm.s32 @!p0 $0x7  }
0x3b: {  	[spmem:s18], [sflag:s11] =	dma.local @!p0 [hbm:s6], $0x2780  }
0x3c: {  	_ =	swait.ge @!p0 [sflag:s12], $0x2780  }
0x3d: {  	[sflag:s12] =	ssyncset.done @!p0 $0x0  }
0x3e: {  	s19 =	smov.u32 s11;
	s11 =	rddreg [dreg:$0x4];
	[sflag:s12] =	ssyncadd.s32 @!p0 $0xFFFFD880  }
0x3f: {  	[tilespmem:s3], [sflag:$0x1] =	stream.linear.gather [hbm4b:s11+s3], $0x100, $0x38;
	[tilespmem:$0x1BC80] =	vst v63  }
0x40: {  	s12 =	rddreg [dreg:$0x6]  }
0x41: {  	[tilespmem:s20], [sflag:$0x2] =	stream.linear.gather [hbm4b:s12+s3], $0x100, $0x38;
	[tilespmem:$0x1BC80] =	vst v63  }
0x42: {  	s17 =	rddreg [dreg:$0x7]  }
0x43: {  	[tilespmem:s21], [sflag:$0x3] =	stream.linear.gather [hbm4b:s17+s3], $0x100, $0x38;
	[tilespmem:$0x1BC80] =	vst v63  }
0x44: {  	s18 =	rddreg [dreg:$0x8]  }
0x45: {  	[tilespmem:s22], [sflag:$0x4] =	stream.linear.gather [hbm4b:s18+s3], $0x100, $0x38;
	[tilespmem:$0x1BC80] =	vst v63  }
0x46: {  	[bflag:$0x0] =	sbarrier.arrive $0xFFFF  }
0x47: {  	_ =	swait.ge [sflag:s23], $0x100  }
0x48: {  	[sflag:s23] =	ssyncset.done $0x0  }
0x49: {  	s12 =	simm.s32 $0x0;
	[sflag:s23] =	ssyncadd.s32 $0xFFFFFF00  }
0x4a: {  	[tilespmem:s25], [sflag:$0x5] =	stream.indirect.gather [hbm4b:s4+s24], $0x80, s3, s24, $0xb8;
	[tilespmem:$0x1BC80] =	vst v63  }
.LBB2_2:
0x4b: {  	_ =	swait.ge [sflag:s26], $0x100  }
0x4c: {  	[sflag:s26] =	ssyncset.done $0x0  }
0x4d: {  	[sflag:s26] =	ssyncadd.s32 $0xFFFFFF00  }
0x4e: {  	[tilespmem:s28], [sflag:$0x6] =	stream.indirect.gather [hbm4b:s4+s24], $0x80, s20, s24, $0xb8;
	[tilespmem:$0x1BC80] =	vst v63  }
0x4f: {  	_ =	swait.ge [sflag:s29], $0x3E80  }
0x50: {  	[sflag:s29] =	ssyncset.done $0x0  }
0x51: {  	[sflag:s29] =	ssyncadd.s32 $0xFFFFC180  }
0x52: {  	[spmem:s2] =	stream.indirect.scatter.add.f32 [tilespmem:s25], [sflag:$0x7], $0x80, s30, s24, $0xb8;
	[tilespmem:$0x1BC80] =	vst v63  }
0x53: {  	_ =	swait.ge [sflag:s31], $0x3E80  }
0x54: {  	p1 =	seq.s32 s12, $0x980;
	[sflag:s31] =	ssyncset.done $0x0  }
0x55: {  	s6 =	sadd.s32 @!p1 s12, s16;
	s11 =	simm.s32 @!p1 $0x0;
	[sflag:s31] =	ssyncadd.s32 $0xFFFFC180  }
0x56: {  	[tilespmem:s11], [sflag:$0x1] =	stream.linear.gather @!p1 [hbm4b:s6+s11], $0x100, $0x38;
	[tilespmem:$0x1BC80] =	vst v63  }
0x57: {  	_ =	swait.ge [sflag:s0], $0x100  }
0x58: {  	[sflag:s0] =	ssyncset.done $0x0  }
0x59: {  	[sflag:s0] =	ssyncadd.s32 $0xFFFFFF00  }
0x5a: {  	[tilespmem:s25], [sflag:$0x5] =	stream.indirect.gather [hbm4b:s4+s24], $0x80, s21, s24, $0xb8;
	[tilespmem:$0x1BC80] =	vst v63  }
0x5b: {  	_ =	swait.ge [sflag:s1], $0x3E80  }
0x5c: {  	[sflag:s1] =	ssyncset.done $0x0  }
0x5d: {  	[sflag:s1] =	ssyncadd.s32 $0xFFFFC180  }
0x5e: {  	[spmem:s2] =	stream.indirect.scatter.add.f32 [tilespmem:s28], [sflag:$0x7], $0x80, s5, s24, $0xb8;
	[tilespmem:$0x1BC80] =	vst v63  }
0x5f: {  	_ =	swait.ge [sflag:s31], $0x3E80  }
0x60: {  	[sflag:s31] =	ssyncset.done $0x0  }
0x61: {  	s17 =	simm.s32 @!p1 $0x100;
	s6 =	sadd.s32 @!p1 s12, s15;
	[sflag:s31] =	ssyncadd.s32 $0xFFFFC180  }
0x62: {  	[tilespmem:s17], [sflag:$0x2] =	stream.linear.gather @!p1 [hbm4b:s6+s11], $0x100, $0x38;
	[tilespmem:$0x1BC80] =	vst v63  }
0x63: {  	_ =	swait.ge [sflag:s7], $0x100  }
0x64: {  	[sflag:s7] =	ssyncset.done $0x0  }
0x65: {  	[sflag:s7] =	ssyncadd.s32 $0xFFFFFF00  }
0x66: {  	[tilespmem:s28], [sflag:$0x6] =	stream.indirect.gather [hbm4b:s4+s24], $0x80, s22, s24, $0xb8;
	[tilespmem:$0x1BC80] =	vst v63  }
0x67: {  	_ =	swait.ge [sflag:s29], $0x3E80  }
0x68: {  	[sflag:s29] =	ssyncset.done $0x0  }
.Ltmp2:
0x69: {  	[sflag:s29] =	ssyncadd.s32 $0xFFFFC180;
	(pc) =	sbr.rel @p1 .LBB2_4-.Ltmp2, $4  }
0x6a: {  	[spmem:s2] =	stream.indirect.scatter.add.f32 [tilespmem:s25], [sflag:$0x7], $0x80, s8, s24, $0xb8;
	[tilespmem:$0x1BC80] =	vst v63  }
0x6b: {  	_ =	swait.ge [sflag:s31], $0x3E80  }
0x6c: {  	[sflag:s31] =	ssyncset.done $0x0  }
0x6d: {  	[sflag:s31] =	ssyncadd.s32 $0xFFFFC180  }
0x6e: {  	s6 =	sadd.s32 s12, s14  }
0x6f: {  	[tilespmem:s21], [sflag:$0x3] =	stream.linear.gather [hbm4b:s6+s3], $0x100, $0x38;
	[tilespmem:$0x1BC80] =	vst v63  }
0x70: {  	_ =	swait.ge [sflag:s23], $0x100  }
0x71: {  	[sflag:s23] =	ssyncset.done $0x0  }
0x72: {  	[sflag:s23] =	ssyncadd.s32 $0xFFFFFF00  }
0x73: {  	[tilespmem:s25], [sflag:$0x5] =	stream.indirect.gather [hbm4b:s4+s24], $0x80, s3, s24, $0xb8;
	[tilespmem:$0x1BC80] =	vst v63  }
0x74: {  	_ =	swait.ge [sflag:s1], $0x3E80  }
0x75: {  	[sflag:s1] =	ssyncset.done $0x0  }
0x76: {  	[sflag:s1] =	ssyncadd.s32 $0xFFFFC180  }
0x77: {  	[spmem:s2] =	stream.indirect.scatter.add.f32 [tilespmem:s28], [sflag:$0x7], $0x80, s9, s24, $0xb8;
	[tilespmem:$0x1BC80] =	vst v63  }
.Ltmp3:
0x78: {  	_ = 	snop;
	(pc) =	sbr.rel .LBB2_2-.Ltmp3, $4  }
0x79: {  	_ =	swait.ge [sflag:s31], $0x3E80  }
0x7a: {  	[sflag:s31] =	ssyncset.done $0x0  }
0x7b: {  	s18 =	sadd.s32 s12, s13;
	s12 =	sadd.s32 $0x80, s12;
	[sflag:s31] =	ssyncadd.s32 $0xFFFFC180  }
0x7c: {  	[tilespmem:s22], [sflag:$0x4] =	stream.linear.gather [hbm4b:s18+s3], $0x100, $0x38;
	[tilespmem:$0x1BC80] =	vst v63  }
.LBB2_5:
0x7d: {  	_ =	sfence.sel $0x180000  }
0x7e: {  	[bflag:$0x0] =	sbarrier.arrive $0xFFFF  }
0x7f: {  	_ =	strace $0x9000004A  }
0x80: {  	s0 =	stileid.u32;
	[bflag:$0x2] =	sbarrier.arrive $0xFFFF  }
0x81: {  	p0 =	sne.s32 s0, $0x0;
	s0 =	rddreg [dreg:$0x2]  }
0x82: {  	s0 =	sadd.s32 @!p0 $0x100000, s0  }
0x83: {  	[sflag:s0] =	ssyncadd.tile.s32 @!p0 $0x1;
	_ =	shalt  }
.Lfunc_end2:
_tile_overlayer_lowered:
.L_overlay_start_2:
0x84: {  	(tag) =	ssettag $0x2  }
0x85: {  	s0 =	rddreg [dreg:$0x0];
	s2 =	stileid.u32  }
0x86: {  	s1 =	rddreg [dreg:$0x1];
	p0 =	sne.s32 s2, $0x0  }
0x87: {  	s3 =	rddreg [dreg:$0x2];
	[bflag:$0x3] =	sbarrier.arrive $0xFFFF;
	s2 =	simm.s32 @!p0 $0x1C07  }
0x88: {  	[timem:s3], [sflag:s2] =	dma.local @!p0 [hbm:s0], s1  }
0x89: {  	s0 =	simm.s32 @!p0 $0x7  }
0x8a: {  	_ =	swait.ge @!p0 [sflag:s0], s1  }
0x8b: {  	s1 =	ssub.s32 @!p0 $0x0, s1;
	[sflag:s0] =	ssyncset.done @!p0 $0x0  }
0x8c: {  	[sflag:s0] =	ssyncadd.s32 @!p0 s1  }
0x8d: {  	[bflag:$0x3] =	sbarrier.arrive $0xFFFF  }
0x8e: {  	_ =	shalt  }

// kernel: kernel.14.cloned.1.call-start
scs
__scs_entry_jumppad:
0x0: {  	(pc) =	sbr.rel $0x88, $3  }
0x1: {  	(tag) =	ssettag $0x0;
	lr =	simm.s32 $0x1  }
0x2: {  	[smem:$0x3F96] =	sst lr;
	_ =	strace $0xD0000000  }
0x3: {  	_ = 	snop  }
0x4: {  	_ = 	snop  }
0x5: {  	_ = 	snop  }
0x6: {  	_ = 	snop  }
0x7: {  	_ = 	snop  }
__scs_overlays_trampoline_lowered:
0x8: {  	[smem:$0x3FA5] =	sst s0  }
0x9: {  	[smem:$0x3FA6] =	sst s1  }
0xa: {  	[smem:$0x3FA7] =	sst s2  }
0xb: {  	[smem:$0x3FA8] =	sst s3  }
0xc: {  	[smem:$0x3FA9] =	sst s4  }
0xd: {  	[smem:$0x3FAA] =	sst s5  }
0xe: {  	[smem:$0x3FAB] =	sst s6  }
0xf: {  	[smem:$0x3FAC] =	sst s7  }
0x10: {  	[smem:$0x3FAD] =	sst s8  }
0x11: {  	[smem:$0x3FAE] =	sst s9;
	s0 =	simm.s32 @!p0 $0x0  }
0x12: {  	s1 =	sld [smem:$0x3F94];
	s0 =	simm.s32 @p0 $0x1  }
0x13: {  	[smem:$0x3FAF] =	sst s0;
	s0 =	simm.s32 @!p1 $0x0  }
0x14: {  	s2 =	sld [smem:$0x3F93];
	s0 =	simm.s32 @p1 $0x1  }
0x15: {  	[smem:$0x3FB0] =	sst s0;
	s0 =	simm.s32 @!p2 $0x0  }
0x16: {  	s3 =	sld [smem:$0x3FDB];
	s0 =	simm.s32 @p2 $0x1  }
0x17: {  	s4 =	simm.s32 $0x1BF5;
	[smem:$0x3FB2] =	sst s0  }
0x18: {  	s0 =	sld [smem:$0x3F95];
	_ =	swait.ge [sflag:s4], $0x0  }
0x19: {  	s7 =	sld [smem:$0x3F96]  }
0x1a: {  	s8 =	sadd.s32 $0xFFFFE003, lr  }
0x1b: {  	s9 =	sadd.s32 $0xFFFFFEF7, lr;
	s5 =	simm.s32 $0xFFFFFFFF;
	p2 =	slt.u32 s8, $0xFFFFF086  }
0x1c: {  	p1 =	slt.u32 s9, $0xF7A;
	s5 =	simm.s32 @!p2 $0x0  }
0x1d: {  	s5 =	simm.s32 @p1 $0x1;
	p0 =	seq.s32 s7, s2  }
0x1e: {  	s7 =	smul.u32 @!p0 $0xF7A, s2;
	p2 =	seq.s32 @!p0 s5, $0x0  }
0x1f: {  	s9 =	smul.u32 $0xF7A, s1;
	s8 =	simm.s32 @!p0 $0x1BF5;
	p2 =	por !p2, p0  }
0x20: {  	[sflag:s8] =	ssyncset.s32 @!p0 $0xFFFFF086;
	s6 =	sadd.s32 @!p0 s3, s7;
	s7 =	simm.s32 @!p0 $0x108  }
0x21: {  	s3 =	sadd.s32 s3, s9;
	s6 =	sadd.s32 @!p0 $0x88, s6;
	s7 =	simm.s32 @p2 $0x1082  }
0x22: {  	[simem:s7], [sflag:s8] =	dma.local @!p0 [hbm:s6], $0xF7A  }
0x23: {  	s9 =	sor.u32 $0xD0000000, s2;
	s6 =	simm.s32 $0x108;
	_ =	swait.ge @!p0 [sflag:s8], $0x0  }
0x24: {  	s3 =	sadd.s32 $0x88, s3;
	s6 =	simm.s32 @!p1 $0x1082;
	[sflag:s4] =	ssyncset.s32 $0xFFFFF086  }
0x25: {  	[simem:s6], [sflag:s4] =	dma.local [hbm:s3], $0xF7A  }
0x26: {  	[smem:$0x3F96] =	sst s1;
	(tag) =	ssettag s2;
	_ =	strace s9  }
0x27: {  	s1 =	sld [smem:$0x3FA6]  }
0x28: {  	s2 =	sld [smem:$0x3FA7]  }
0x29: {  	s4 =	sld [smem:$0x3FA9]  }
0x2a: {  	p0 =	seq.s32 s5, $0x0;
	s5 =	sld [smem:$0x3FAA]  }
0x2b: {  	s6 =	sld [smem:$0x3FAB]  }
0x2c: {  	s7 =	sld [smem:$0x3FAC]  }
0x2d: {  	s3 =	simm.s32 $0x108;
	s8 =	sld [smem:$0x3FAD]  }
0x2e: {  	s3 =	simm.s32 @!p0 $0x1082;
	s9 =	sld [smem:$0x3FAE]  }
0x2f: {  	lr =	sadd.s32 s0, s3;
	s0 =	sld [smem:$0x3FA5]  }
0x30: {  	s3 =	sld [smem:$0x3FA8]  }
0x31: {  	[smem:$0x3FB1] =	sst s10  }
0x32: {  	s10 =	sld [smem:$0x3FAF];
	_ =	sdelay $0x3  }
0x33: {  	p0 =	seq.s32 s10, $0x1;
	s10 =	sld [smem:$0x3FB1];
	_ =	sdelay $0x3  }
0x34: {  	[smem:$0x3FB1] =	sst s10  }
0x35: {  	s10 =	sld [smem:$0x3FB0];
	_ =	sdelay $0x3  }
0x36: {  	p1 =	seq.s32 s10, $0x1;
	s10 =	sld [smem:$0x3FB1];
	_ =	sdelay $0x3  }
0x37: {  	[smem:$0x3FB1] =	sst s10  }
0x38: {  	s10 =	sld [smem:$0x3FB2]  }
0x39: {  	_ = 	snop;
	(pc) =	sbr.ind lr, $3  }
0x3a: {  	_ = 	snop  }
0x3b: {  	_ = 	snop  }
0x3c: {  	p2 =	seq.s32 s10, $0x1;
	s10 =	sld [smem:$0x3FB1]  }
0x3d: {  	_ =	shalt  }
0x3e: {  	_ =	shalt  }
0x3f: {  	_ =	shalt  }
0x40: {  	_ =	shalt  }
0x41: {  	_ =	shalt  }
0x42: {  	_ =	shalt  }
0x43: {  	_ =	shalt  }
0x44: {  	_ =	shalt  }
0x45: {  	_ =	shalt  }
0x46: {  	_ =	shalt  }
0x47: {  	_ =	shalt  }
0x48: {  	_ =	shalt  }
0x49: {  	_ =	shalt  }
0x4a: {  	_ =	shalt  }
0x4b: {  	_ =	shalt  }
0x4c: {  	_ =	shalt  }
0x4d: {  	_ =	shalt  }
0x4e: {  	_ =	shalt  }
0x4f: {  	_ =	shalt  }
0x50: {  	_ =	shalt  }
0x51: {  	_ =	shalt  }
0x52: {  	_ =	shalt  }
0x53: {  	_ =	shalt  }
0x54: {  	_ =	shalt  }
0x55: {  	_ =	shalt  }
0x56: {  	_ =	shalt  }
0x57: {  	_ =	shalt  }
0x58: {  	_ =	shalt  }
0x59: {  	_ =	shalt  }
0x5a: {  	_ =	shalt  }
0x5b: {  	_ =	shalt  }
0x5c: {  	_ =	shalt  }
0x5d: {  	_ =	shalt  }
0x5e: {  	_ =	shalt  }
0x5f: {  	_ =	shalt  }
0x60: {  	_ =	shalt  }
0x61: {  	_ =	shalt  }
0x62: {  	_ =	shalt  }
0x63: {  	_ =	shalt  }
0x64: {  	_ =	shalt  }
0x65: {  	_ =	shalt  }
0x66: {  	_ =	shalt  }
0x67: {  	_ =	shalt  }
0x68: {  	_ =	shalt  }
0x69: {  	_ =	shalt  }
0x6a: {  	_ =	shalt  }
0x6b: {  	_ =	shalt  }
0x6c: {  	_ =	shalt  }
0x6d: {  	_ =	shalt  }
0x6e: {  	_ =	shalt  }
0x6f: {  	_ =	shalt  }
0x70: {  	_ =	shalt  }
0x71: {  	_ =	shalt  }
0x72: {  	_ =	shalt  }
0x73: {  	_ =	shalt  }
0x74: {  	_ =	shalt  }
0x75: {  	_ =	shalt  }
0x76: {  	_ =	shalt  }
0x77: {  	_ =	shalt  }
0x78: {  	_ =	shalt  }
0x79: {  	_ =	shalt  }
0x7a: {  	_ =	shalt  }
0x7b: {  	_ =	shalt  }
0x7c: {  	_ =	shalt  }
0x7d: {  	_ =	shalt  }
0x7e: {  	_ =	shalt  }
0x7f: {  	_ =	shalt  }
0x80: {  	_ =	shalt  }
0x81: {  	_ =	shalt  }
0x82: {  	_ =	shalt  }
0x83: {  	_ =	shalt  }
0x84: {  	_ =	shalt  }
0x85: {  	_ =	shalt  }
0x86: {  	_ =	shalt  }
0x87: {  	_ =	shalt  }
.Lfunc_end0:
.L_simem_size_0:
called_computation.2_lowered:
.L_overlay_start_0:
0x88: {  	s2 =	sld [smem:$0x3FD9]  }
0x89: {  	s3 =	sld [smem:$0x3FFE];
	_ =	sdelay $0x1  }
0x8a: {  	s1 =	srdreg.scid  }
0x8b: {  	s0 =	sand.u32 $0x1, s1  }
0x8c: {  	s16 =	sshll.u32 s0, $0xA;
	s2 =	sadd.s32 s3, s2  }
0x8d: {  	s2 =	sadd.s32 s2, s16  }
0x8e: {  	[smem:$0x3FBD] =	sst s2  }
0x8f: {  	_ = 	snop  }
0x90: {  	(tm) =	ssettm $0x1  }
0x91: {  	s17 =	sld [smem:$0x3FFB];
	_ =	sdelay $0x3  }
0x92: {  	_ =	strace s17  }
0x93: {  	s2 =	sld [smem:$0x3FFC];
	_ =	sdelay $0x3  }
0x94: {  	_ =	strace s2  }
0x95: {  	s2 =	sld [smem:$0x3FFD];
	_ =	sdelay $0x3  }
0x96: {  	_ =	strace s2  }
0x97: {  	_ =	strace $0x8FFFFFFF  }
0x98: {  	s18 =	sld [smem:$0x3FDB];
	_ =	sdelay $0x1  }
0x99: {  	s19 =	simm.s32 $_scs_section_size  }
0x9a: {  	s4 =	simm.s32 $_size__tile_overlayer_lowered;
	s5 =	simm.s32 $_tile_overlayer_lowered  }
0x9b: {  	s22 =	simm.s32 $0x1BFF;
	s21 =	sshll.u32 s5, $0x1;
	s2 =	sadd.s32 s19, s18  }
0x9c: {  	s6 =	simm.s32 $0x0;
	s20 =	sshll.u32 s4, $0x1;
	s4 =	sadd.s32 s21, s2  }
0x9d: {  	[timem:s6], [sflag:s22] =	dma.local [hbm:s4], s20  }
0x9e: {  	_ =	swait.ge [sflag:s22], s20  }
0x9f: {  	s3 =	ssub.s32 $0x0, s20;
	[sflag:s22] =	ssyncset.done $0x0  }
0xa0: {  	[sflag:s22] =	ssyncadd.s32 s3;
	_ =	sdelay $0x1  }
0xa1: {  	s23 =	simm.s32 $0x1B8B  }
0xa2: {  	_ =	swait.ge [sflag:s23], $0x1  }
0xa3: {  	[sflag:s23] =	ssyncset.done $0x0  }
0xa4: {  	s25 =	simm.s32 $0x1B8E;
	s24 =	sld [smem:$0x3FFE];
	[sflag:s23] =	ssyncadd.s32 $0xFFFFFFFF  }
0xa5: {  	s26 =	simm.s32 $execute0_lowered;
	[smem:$0x3FD2] =	sst s25  }
0xa6: {  	s4 =	sshll.u32 s26, $0x1;
	_ =	strace $0x8000004C;
	[dreg:$0x1] =	wrdreg $0xFFFFFFFF  }
0xa7: {  	s28 =	simm.s32 $_size_execute0_lowered;
	s2 =	sadd.s32 s2, s4;
	[dreg:$0x0] =	wrdreg $0x0  }
0xa8: {  	s4 =	sshll.u32 s28, $0x1;
	[dreg:$0x2] =	wrdreg s2  }
0xa9: {  	[dreg:$0x3] =	wrdreg s4  }
0xaa: {  	[dreg:$0x4] =	wrdreg $0xC0  }
0xab: {  	_ =	task [dreg:s6], $0x5FFFF  }
0xac: {  	[dreg:$0x1] =	wrdreg $0xFFFFFFFF  }
0xad: {  	[dreg:$0x0] =	wrdreg $0x60  }
0xae: {  	[dreg:$0x2] =	wrdreg s24  }
0xaf: {  	[dreg:$0x3] =	wrdreg $0x84000  }
0xb0: {  	[dreg:$0x4] =	wrdreg $0x9  }
0xb1: {  	_ =	task.clear_ibuf [dreg:s6], $0x5FFFF;
	_ =	strace $0x9000004C  }
0xb2: {  	s29 =	simm.s32 $0x9;
	_ =	strace $0x8000004E  }
0xb3: {  	_ =	swait.ge [sflag:s29], $0x1  }
0xb4: {  	[sflag:s29] =	ssyncadd.s32 $0xFFFFFFFF  }
0xb5: {  	_ =	strace $0x9000004E  }
0xb6: {  	_ =	sfence  }
0xb7: {  	s30 =	sld [smem:$0x0];
	_ =	sdelay $0x2  }
0xb8: {  	s31 =	sshll.u32 s1, $0xD;
	s1 =	sshrl.u32 s1, $0x2  }
0xb9: {  	s3 =	sand.u32 $0x4000, s31;
	s1 =	sadd.s32 s1, s30  }
0xba: {  	s0 =	sor.u32 s3, s0;
	s1 =	sshll.u32 s1, $0x11  }
0xbb: {  	s0 =	sor.u32 s1, s0  }
0xbc: {  	s0 =	sadd.s32 $0x8F2B, s0  }
0xbd: {  	[sflag:s0] =	ssyncadd.remote.s32 $0x1  }
0xbe: {  	_ =	sfence.sel $0xFFFF  }
0xbf: {  	[dreg:$0x0] =	wrdreg $0xFFFFFFFF;
	(pc) =	sbr.abs _section_cstart, $3  }
0xc0: {  	[dreg:$0x1] =	wrdreg $0xFFFFFFFF  }
0xc1: {  	_ =	task.clear_ibuf [dreg:s6], $0x2FFFF;
	_ =	strace $0x9FFFFFFF  }
0xc2: {  	(tm) =	ssettm $0x7FFFFFFF  }
0xc3: {  	_ =	shalt  }
tec
execute0_lowered:
.L_overlay_start_1:
0x0: {  	(tag) =	ssettag $0x1  }
0x1: {  	s0 =	rddreg [dreg:$0x0]  }
0x2: {  	s2 =	rddreg [dreg:$0x1];
	s1 =	srdreg.scid  }
0x3: {  	s12 =	stileid.u32;
	s3 =	simm.s32 $0x0;
	s28 =	simm.s32 $0x4400  }
0x4: {  	s29 =	simm.s32 $0x5;
	s30 =	simm.s32 $0x80;
	s5 =	smul.u32 $0x278, s12  }
0x5: {  	s31 =	simm.s32 $0x7;
	s1 =	sand.u32 $0x1, s1;
	s8 =	smul.u32 $0x4F000, s12  }
0x6: {  	[smem:$0x7FF] =	sst s3;
	s4 =	sadd.s32 $0x21400, s0;
	s10 =	smul.u32 $0x2780, s12  }
0x7: {  	s7 =	sadd.s32 $0xD400, s0;
	s17 =	smul.u32 $0x5000, s12;
	p0 =	seq.s32 s12, $0xF  }
0x8: {  	s6 =	smul.u32 $0x2710, s1;
	_ =	strace $0x8000004D;
	s9 =	ssub.s32 $0x2, s1  }
0x9: {  	s16 =	sshll.u32 s1, $0x4;
	s1 =	smul.u32 $0x50000, s1;
	s11 =	sshrl.u32 s9, $0x1  }
0xa: {  	s8 =	sshrl.u32 s8, $0x2;
	s10 =	sadd.s32 s4, s10;
	s5 =	sadd.s32 s5, s6  }
0xb: {  	s6 =	sor.u32 s12, s16;
	s9 =	ssub.s32 s9, s11;
	s8 =	sadd.s32 s8, s2  }
0xc: {  	[dreg:$0x3] =	wrdreg s10;
	s10 =	sadd.s32 $0x128400, s2;
	s19 =	sadd.s32 s17, s1  }
0xd: {  	s5 =	sshll.u32 s5, $0x4;
	s6 =	smul.u32 $0x5000, s6;
	s22 =	sor.u32 $0x700, s19  }
0xe: {  	s23 =	sor.u32 $0x600, s19;
	s24 =	smax.u32 s9, $0x1;
	s26 =	sor.u32 $0x500, s19  }
0xf: {  	s17 =	sshrl.u32 @p0 s10, $0x3;
	s9 =	simm.s32 $0x380;
	s10 =	simm.s32 $0x0  }
0x10: {  	s5 =	sadd.s32 s5, s0;
	s0 =	sadd.s32 $0x46480, s0;
	s1 =	sshrl.u32 s22, $0x3  }
0x11: {  	[dreg:$0xa] =	wrdreg s24;
	s25 =	sshrl.u32 s23, $0x3;
	s22 =	simm.s32 $0x300  }
0x12: {  	s23 =	simm.s32 $0x1;
	s24 =	simm.s32 $0x7D;
	[dreg:$0xc] =	wrdreg s17  }
0x13: {  	s6 =	sshrl.u32 s6, $0x3;
	[dreg:$0x5] =	wrdreg s0;
	s5 =	sadd.s32 $0x48600, s5  }
0x14: {  	s13 =	sadd.s32 s1, s7;
	s14 =	sadd.s32 s25, s7;
	s0 =	sor.u32 $0x400, s19  }
0x15: {  	s1 =	sshrl.u32 s26, $0x3;
	s25 =	simm.s32 $0x400;
	s26 =	simm.s32 $0x2  }
0x16: {  	s6 =	sadd.s32 s7, s6;
	[dreg:$0x9] =	wrdreg s5;
	s0 =	sshrl.u32 s0, $0x3  }
0x17: {  	s15 =	sadd.s32 s1, s7;
	s1 =	simm.s32 $0x6;
	s5 =	simm.s32 $0x180  }
0x18: {  	s18 =	sadd.s32 $0x20, s6;
	s20 =	sadd.s32 $0x40, s6;
	[dreg:$0x4] =	wrdreg s6  }
.Ltmp0:
0x19: {  	s21 =	sadd.s32 $0x60, s6;
	[dreg:$0x6] =	wrdreg s18;
	(pc) =	sbr.rel .LBB2_1-.Ltmp0, $4  }
0x1a: {  	s16 =	sadd.s32 s0, s7;
	s0 =	sshll.u32 @!p0 s12, $0x6;
	[dreg:$0x7] =	wrdreg s20  }
0x1b: {  	s7 =	simm.s32 $0x4;
	[dreg:$0x8] =	wrdreg s21;
	s11 =	sor.u32 @!p0 $0x1C07, s0  }
0x1c: {  	s18 =	sshrl.u32 @!p0 s8, $0x3;
	s20 =	simm.s32 $0x100;
	s21 =	simm.s32 $0x200  }
0x1d: {  	s0 =	simm.s32 $0x3;
	s8 =	simm.s32 $0x280;
	[dreg:$0xb] =	wrdreg s18  }
.LBB2_4:
0x1e: {  	_ =	swait.ge [sflag:s1], $0x3E80  }
0x1f: {  	[sflag:s1] =	ssyncset.done $0x0  }
0x20: {  	[sflag:s1] =	ssyncadd.s32 $0xFFFFC180  }
0x21: {  	[spmem:s2] =	stream.indirect.scatter.add.f32 [tilespmem:s28], [sflag:$0x7], $0x80, s9, s24, $0xb8;
	[tilespmem:$0x1BC80] =	vst v63  }
0x22: {  	_ =	swait.ge [sflag:s31], $0x3E80  }
0x23: {  	[sflag:s31] =	ssyncset.done $0x0  }
0x24: {  	[sflag:s31] =	ssyncadd.s32 $0xFFFFC180  }
0x25: {  	[bflag:$0x0] =	sbarrier.arrive $0xFFFF  }
0x26: {  	s11 =	rddreg [dreg:$0x9]  }
0x27: {  	s6 =	simm.s32 @p0 $0x1FC7;
	s17 =	rddreg [dreg:$0xc]  }
0x28: {  	[hbm:s11], [sflag:s6] =	dma.local @p0 [spmem:s17], $0x2080  }
0x29: {  	s6 =	simm.s32 @p0 $0x7  }
0x2a: {  	_ =	swait.ge @p0 [sflag:s6], $0x2080  }
0x2b: {  	[sflag:s6] =	ssyncset.done @p0 $0x0  }
0x2c: {  	s18 =	rddreg [dreg:$0xb];
	[sflag:s6] =	ssyncadd.s32 @p0 $0xFFFFDF80;
	s6 =	simm.s32 @!p0 $0x7  }
0x2d: {  	[hbm:s11], [sflag:s19] =	dma.local @!p0 [spmem:s18], $0x2780  }
0x2e: {  	_ =	swait.ge @!p0 [sflag:s6], $0x2780  }
0x2f: {  	s10 =	sadd.s32 $0x1, s10;
	s12 =	rddreg [dreg:$0xa]  }
0x30: {  	p1 =	sne.s32 s10, s12  }
.Ltmp1:
0x31: {  	_ = 	snop;
	(pc) =	sbr.rel @!p1 .LBB2_5-.Ltmp1, $3  }
0x32: {  	_ =	sdelay $0x1  }
0x33: {  	[sflag:s6] =	ssyncset.done @!p0 $0x0  }
0x34: {  	s11 =	smov.u32 s19;
	[sflag:s6] =	ssyncadd.s32 @!p0 $0xFFFFD880  }
.LBB2_1:
0x35: {  	s12 =	simm.s32 @p0 $0x1FC7;
	s6 =	rddreg [dreg:$0x5]  }
0x36: {  	[spmem:s17], [sflag:s12] =	dma.local @p0 [hbm:s6], $0x2080  }
0x37: {  	s12 =	simm.s32 @p0 $0x7  }
0x38: {  	_ =	swait.ge @p0 [sflag:s12], $0x2080  }
0x39: {  	[sflag:s12] =	ssyncset.done @p0 $0x0  }
0x3a: {  	s6 =	rddreg [dreg:$0x3];
	[sflag:s12] =	ssyncadd.s32 @p0 $0xFFFFDF80;
	s12 =	simm.s32 @!p0 $0x7  }
0x3b: {  	[spmem:s18], [sflag:s11] =	dma.local @!p0 [hbm:s6], $0x2780  }
0x3c: {  	_ =	swait.ge @!p0 [sflag:s12], $0x2780  }
0x3d: {  	[sflag:s12] =	ssyncset.done @!p0 $0x0  }
0x3e: {  	s19 =	smov.u32 s11;
	s11 =	rddreg [dreg:$0x4];
	[sflag:s12] =	ssyncadd.s32 @!p0 $0xFFFFD880  }
0x3f: {  	[tilespmem:s3], [sflag:$0x1] =	stream.linear.gather [hbm4b:s11+s3], $0x100, $0x38;
	[tilespmem:$0x1BC80] =	vst v63  }
0x40: {  	s12 =	rddreg [dreg:$0x6]  }
0x41: {  	[tilespmem:s20], [sflag:$0x2] =	stream.linear.gather [hbm4b:s12+s3], $0x100, $0x38;
	[tilespmem:$0x1BC80] =	vst v63  }
0x42: {  	s17 =	rddreg [dreg:$0x7]  }
0x43: {  	[tilespmem:s21], [sflag:$0x3] =	stream.linear.gather [hbm4b:s17+s3], $0x100, $0x38;
	[tilespmem:$0x1BC80] =	vst v63  }
0x44: {  	s18 =	rddreg [dreg:$0x8]  }
0x45: {  	[tilespmem:s22], [sflag:$0x4] =	stream.linear.gather [hbm4b:s18+s3], $0x100, $0x38;
	[tilespmem:$0x1BC80] =	vst v63  }
0x46: {  	[bflag:$0x0] =	sbarrier.arrive $0xFFFF  }
0x47: {  	_ =	swait.ge [sflag:s23], $0x100  }
0x48: {  	[sflag:s23] =	ssyncset.done $0x0  }
0x49: {  	s12 =	simm.s32 $0x0;
	[sflag:s23] =	ssyncadd.s32 $0xFFFFFF00  }
0x4a: {  	[tilespmem:s25], [sflag:$0x5] =	stream.indirect.gather [hbm4b:s4+s24], $0x80, s3, s24, $0xb8;
	[tilespmem:$0x1BC80] =	vst v63  }
.LBB2_2:
0x4b: {  	_ =	swait.ge [sflag:s26], $0x100  }
0x4c: {  	[sflag:s26] =	ssyncset.done $0x0  }
0x4d: {  	[sflag:s26] =	ssyncadd.s32 $0xFFFFFF00  }
0x4e: {  	[tilespmem:s28], [sflag:$0x6] =	stream.indirect.gather [hbm4b:s4+s24], $0x80, s20, s24, $0xb8;
	[tilespmem:$0x1BC80] =	vst v63  }
0x4f: {  	_ =	swait.ge [sflag:s29], $0x3E80  }
0x50: {  	[sflag:s29] =	ssyncset.done $0x0  }
0x51: {  	[sflag:s29] =	ssyncadd.s32 $0xFFFFC180  }
0x52: {  	[spmem:s2] =	stream.indirect.scatter.add.f32 [tilespmem:s25], [sflag:$0x7], $0x80, s30, s24, $0xb8;
	[tilespmem:$0x1BC80] =	vst v63  }
0x53: {  	_ =	swait.ge [sflag:s31], $0x3E80  }
0x54: {  	p1 =	seq.s32 s12, $0x980;
	[sflag:s31] =	ssyncset.done $0x0  }
0x55: {  	s6 =	sadd.s32 @!p1 s12, s16;
	s11 =	simm.s32 @!p1 $0x0;
	[sflag:s31] =	ssyncadd.s32 $0xFFFFC180  }
0x56: {  	[tilespmem:s11], [sflag:$0x1] =	stream.linear.gather @!p1 [hbm4b:s6+s11], $0x100, $0x38;
	[tilespmem:$0x1BC80] =	vst v63  }
0x57: {  	_ =	swait.ge [sflag:s0], $0x100  }
0x58: {  	[sflag:s0] =	ssyncset.done $0x0  }
0x59: {  	[sflag:s0] =	ssyncadd.s32 $0xFFFFFF00  }
0x5a: {  	[tilespmem:s25], [sflag:$0x5] =	stream.indirect.gather [hbm4b:s4+s24], $0x80, s21, s24, $0xb8;
	[tilespmem:$0x1BC80] =	vst v63  }
0x5b: {  	_ =	swait.ge [sflag:s1], $0x3E80  }
0x5c: {  	[sflag:s1] =	ssyncset.done $0x0  }
0x5d: {  	[sflag:s1] =	ssyncadd.s32 $0xFFFFC180  }
0x5e: {  	[spmem:s2] =	stream.indirect.scatter.add.f32 [tilespmem:s28], [sflag:$0x7], $0x80, s5, s24, $0xb8;
	[tilespmem:$0x1BC80] =	vst v63  }
0x5f: {  	_ =	swait.ge [sflag:s31], $0x3E80  }
0x60: {  	[sflag:s31] =	ssyncset.done $0x0  }
0x61: {  	s17 =	simm.s32 @!p1 $0x100;
	s6 =	sadd.s32 @!p1 s12, s15;
	[sflag:s31] =	ssyncadd.s32 $0xFFFFC180  }
0x62: {  	[tilespmem:s17], [sflag:$0x2] =	stream.linear.gather @!p1 [hbm4b:s6+s11], $0x100, $0x38;
	[tilespmem:$0x1BC80] =	vst v63  }
0x63: {  	_ =	swait.ge [sflag:s7], $0x100  }
0x64: {  	[sflag:s7] =	ssyncset.done $0x0  }
0x65: {  	[sflag:s7] =	ssyncadd.s32 $0xFFFFFF00  }
0x66: {  	[tilespmem:s28], [sflag:$0x6] =	stream.indirect.gather [hbm4b:s4+s24], $0x80, s22, s24, $0xb8;
	[tilespmem:$0x1BC80] =	vst v63  }
0x67: {  	_ =	swait.ge [sflag:s29], $0x3E80  }
0x68: {  	[sflag:s29] =	ssyncset.done $0x0  }
.Ltmp2:
0x69: {  	[sflag:s29] =	ssyncadd.s32 $0xFFFFC180;
	(pc) =	sbr.rel @p1 .LBB2_4-.Ltmp2, $4  }
0x6a: {  	[spmem:s2] =	stream.indirect.scatter.add.f32 [tilespmem:s25], [sflag:$0x7], $0x80, s8, s24, $0xb8;
	[tilespmem:$0x1BC80] =	vst v63  }
0x6b: {  	_ =	swait.ge [sflag:s31], $0x3E80  }
0x6c: {  	[sflag:s31] =	ssyncset.done $0x0  }
0x6d: {  	[sflag:s31] =	ssyncadd.s32 $0xFFFFC180  }
0x6e: {  	s6 =	sadd.s32 s12, s14  }
0x6f: {  	[tilespmem:s21], [sflag:$0x3] =	stream.linear.gather [hbm4b:s6+s3], $0x100, $0x38;
	[tilespmem:$0x1BC80] =	vst v63  }
0x70: {  	_ =	swait.ge [sflag:s23], $0x100  }
0x71: {  	[sflag:s23] =	ssyncset.done $0x0  }
0x72: {  	[sflag:s23] =	ssyncadd.s32 $0xFFFFFF00  }
0x73: {  	[tilespmem:s25], [sflag:$0x5] =	stream.indirect.gather [hbm4b:s4+s24], $0x80, s3, s24, $0xb8;
	[tilespmem:$0x1BC80] =	vst v63  }
0x74: {  	_ =	swait.ge [sflag:s1], $0x3E80  }
0x75: {  	[sflag:s1] =	ssyncset.done $0x0  }
0x76: {  	[sflag:s1] =	ssyncadd.s32 $0xFFFFC180  }
0x77: {  	[spmem:s2] =	stream.indirect.scatter.add.f32 [tilespmem:s28], [sflag:$0x7], $0x80, s9, s24, $0xb8;
	[tilespmem:$0x1BC80] =	vst v63  }
.Ltmp3:
0x78: {  	_ = 	snop;
	(pc) =	sbr.rel .LBB2_2-.Ltmp3, $4  }
0x79: {  	_ =	swait.ge [sflag:s31], $0x3E80  }
0x7a: {  	[sflag:s31] =	ssyncset.done $0x0  }
0x7b: {  	s18 =	sadd.s32 s12, s13;
	s12 =	sadd.s32 $0x80, s12;
	[sflag:s31] =	ssyncadd.s32 $0xFFFFC180  }
0x7c: {  	[tilespmem:s22], [sflag:$0x4] =	stream.linear.gather [hbm4b:s18+s3], $0x100, $0x38;
	[tilespmem:$0x1BC80] =	vst v63  }
.LBB2_5:
0x7d: {  	_ =	sfence.sel $0x180000  }
0x7e: {  	[bflag:$0x0] =	sbarrier.arrive $0xFFFF  }
0x7f: {  	_ =	strace $0x9000004D  }
0x80: {  	s0 =	stileid.u32;
	[bflag:$0x2] =	sbarrier.arrive $0xFFFF  }
0x81: {  	p0 =	sne.s32 s0, $0x0;
	s0 =	rddreg [dreg:$0x2]  }
0x82: {  	s0 =	sadd.s32 @!p0 $0x100000, s0  }
0x83: {  	[sflag:s0] =	ssyncadd.tile.s32 @!p0 $0x1;
	_ =	shalt  }
.Lfunc_end2:
_tile_overlayer_lowered:
.L_overlay_start_2:
0x84: {  	(tag) =	ssettag $0x2  }
0x85: {  	s0 =	rddreg [dreg:$0x0];
	s2 =	stileid.u32  }
0x86: {  	s1 =	rddreg [dreg:$0x1];
	p0 =	sne.s32 s2, $0x0  }
0x87: {  	s3 =	rddreg [dreg:$0x2];
	[bflag:$0x3] =	sbarrier.arrive $0xFFFF;
	s2 =	simm.s32 @!p0 $0x1C07  }
0x88: {  	[timem:s3], [sflag:s2] =	dma.local @!p0 [hbm:s0], s1  }
0x89: {  	s0 =	simm.s32 @!p0 $0x7  }
0x8a: {  	_ =	swait.ge @!p0 [sflag:s0], s1  }
0x8b: {  	s1 =	ssub.s32 @!p0 $0x0, s1;
	[sflag:s0] =	ssyncset.done @!p0 $0x0  }
0x8c: {  	[sflag:s0] =	ssyncadd.s32 @!p0 s1  }
0x8d: {  	[bflag:$0x3] =	sbarrier.arrive $0xFFFF  }
0x8e: {  	_ =	shalt  }

// kernel: kernel.8.cloned.1.call-start
scs
__scs_entry_jumppad:
0x0: {  	(pc) =	sbr.rel $0x88, $3  }
0x1: {  	(tag) =	ssettag $0x0;
	lr =	simm.s32 $0x1  }
0x2: {  	[smem:$0x3F96] =	sst lr;
	_ =	strace $0xD0000000  }
0x3: {  	_ = 	snop  }
0x4: {  	_ = 	snop  }
0x5: {  	_ = 	snop  }
0x6: {  	_ = 	snop  }
0x7: {  	_ = 	snop  }
__scs_overlays_trampoline_lowered:
0x8: {  	[smem:$0x3FA5] =	sst s0  }
0x9: {  	[smem:$0x3FA6] =	sst s1  }
0xa: {  	[smem:$0x3FA7] =	sst s2  }
0xb: {  	[smem:$0x3FA8] =	sst s3  }
0xc: {  	[smem:$0x3FA9] =	sst s4  }
0xd: {  	[smem:$0x3FAA] =	sst s5  }
0xe: {  	[smem:$0x3FAB] =	sst s6  }
0xf: {  	[smem:$0x3FAC] =	sst s7  }
0x10: {  	[smem:$0x3FAD] =	sst s8  }
0x11: {  	[smem:$0x3FAE] =	sst s9;
	s0 =	simm.s32 @!p0 $0x0  }
0x12: {  	s1 =	sld [smem:$0x3F94];
	s0 =	simm.s32 @p0 $0x1  }
0x13: {  	[smem:$0x3FAF] =	sst s0;
	s0 =	simm.s32 @!p1 $0x0  }
0x14: {  	s2 =	sld [smem:$0x3F93];
	s0 =	simm.s32 @p1 $0x1  }
0x15: {  	[smem:$0x3FB0] =	sst s0;
	s0 =	simm.s32 @!p2 $0x0  }
0x16: {  	s3 =	sld [smem:$0x3FDB];
	s0 =	simm.s32 @p2 $0x1  }
0x17: {  	s4 =	simm.s32 $0x1BF5;
	[smem:$0x3FB2] =	sst s0  }
0x18: {  	s0 =	sld [smem:$0x3F95];
	_ =	swait.ge [sflag:s4], $0x0  }
0x19: {  	s7 =	sld [smem:$0x3F96]  }
0x1a: {  	s8 =	sadd.s32 $0xFFFFE003, lr  }
0x1b: {  	s9 =	sadd.s32 $0xFFFFFEF7, lr;
	s5 =	simm.s32 $0xFFFFFFFF;
	p2 =	slt.u32 s8, $0xFFFFF086  }
0x1c: {  	p1 =	slt.u32 s9, $0xF7A;
	s5 =	simm.s32 @!p2 $0x0  }
0x1d: {  	s5 =	simm.s32 @p1 $0x1;
	p0 =	seq.s32 s7, s2  }
0x1e: {  	s7 =	smul.u32 @!p0 $0xF7A, s2;
	p2 =	seq.s32 @!p0 s5, $0x0  }
0x1f: {  	s9 =	smul.u32 $0xF7A, s1;
	s8 =	simm.s32 @!p0 $0x1BF5;
	p2 =	por !p2, p0  }
0x20: {  	[sflag:s8] =	ssyncset.s32 @!p0 $0xFFFFF086;
	s6 =	sadd.s32 @!p0 s3, s7;
	s7 =	simm.s32 @!p0 $0x108  }
0x21: {  	s3 =	sadd.s32 s3, s9;
	s6 =	sadd.s32 @!p0 $0x88, s6;
	s7 =	simm.s32 @p2 $0x1082  }
0x22: {  	[simem:s7], [sflag:s8] =	dma.local @!p0 [hbm:s6], $0xF7A  }
0x23: {  	s9 =	sor.u32 $0xD0000000, s2;
	s6 =	simm.s32 $0x108;
	_ =	swait.ge @!p0 [sflag:s8], $0x0  }
0x24: {  	s3 =	sadd.s32 $0x88, s3;
	s6 =	simm.s32 @!p1 $0x1082;
	[sflag:s4] =	ssyncset.s32 $0xFFFFF086  }
0x25: {  	[simem:s6], [sflag:s4] =	dma.local [hbm:s3], $0xF7A  }
0x26: {  	[smem:$0x3F96] =	sst s1;
	(tag) =	ssettag s2;
	_ =	strace s9  }
0x27: {  	s1 =	sld [smem:$0x3FA6]  }
0x28: {  	s2 =	sld [smem:$0x3FA7]  }
0x29: {  	s4 =	sld [smem:$0x3FA9]  }
0x2a: {  	p0 =	seq.s32 s5, $0x0;
	s5 =	sld [smem:$0x3FAA]  }
0x2b: {  	s6 =	sld [smem:$0x3FAB]  }
0x2c: {  	s7 =	sld [smem:$0x3FAC]  }
0x2d: {  	s3 =	simm.s32 $0x108;
	s8 =	sld [smem:$0x3FAD]  }
0x2e: {  	s3 =	simm.s32 @!p0 $0x1082;
	s9 =	sld [smem:$0x3FAE]  }
0x2f: {  	lr =	sadd.s32 s0, s3;
	s0 =	sld [smem:$0x3FA5]  }
0x30: {  	s3 =	sld [smem:$0x3FA8]  }
0x31: {  	[smem:$0x3FB1] =	sst s10  }
0x32: {  	s10 =	sld [smem:$0x3FAF];
	_ =	sdelay $0x3  }
0x33: {  	p0 =	seq.s32 s10, $0x1;
	s10 =	sld [smem:$0x3FB1];
	_ =	sdelay $0x3  }
0x34: {  	[smem:$0x3FB1] =	sst s10  }
0x35: {  	s10 =	sld [smem:$0x3FB0];
	_ =	sdelay $0x3  }
0x36: {  	p1 =	seq.s32 s10, $0x1;
	s10 =	sld [smem:$0x3FB1];
	_ =	sdelay $0x3  }
0x37: {  	[smem:$0x3FB1] =	sst s10  }
0x38: {  	s10 =	sld [smem:$0x3FB2]  }
0x39: {  	_ = 	snop;
	(pc) =	sbr.ind lr, $3  }
0x3a: {  	_ = 	snop  }
0x3b: {  	_ = 	snop  }
0x3c: {  	p2 =	seq.s32 s10, $0x1;
	s10 =	sld [smem:$0x3FB1]  }
0x3d: {  	_ =	shalt  }
0x3e: {  	_ =	shalt  }
0x3f: {  	_ =	shalt  }
0x40: {  	_ =	shalt  }
0x41: {  	_ =	shalt  }
0x42: {  	_ =	shalt  }
0x43: {  	_ =	shalt  }
0x44: {  	_ =	shalt  }
0x45: {  	_ =	shalt  }
0x46: {  	_ =	shalt  }
0x47: {  	_ =	shalt  }
0x48: {  	_ =	shalt  }
0x49: {  	_ =	shalt  }
0x4a: {  	_ =	shalt  }
0x4b: {  	_ =	shalt  }
0x4c: {  	_ =	shalt  }
0x4d: {  	_ =	shalt  }
0x4e: {  	_ =	shalt  }
0x4f: {  	_ =	shalt  }
0x50: {  	_ =	shalt  }
0x51: {  	_ =	shalt  }
0x52: {  	_ =	shalt  }
0x53: {  	_ =	shalt  }
0x54: {  	_ =	shalt  }
0x55: {  	_ =	shalt  }
0x56: {  	_ =	shalt  }
0x57: {  	_ =	shalt  }
0x58: {  	_ =	shalt  }
0x59: {  	_ =	shalt  }
0x5a: {  	_ =	shalt  }
0x5b: {  	_ =	shalt  }
0x5c: {  	_ =	shalt  }
0x5d: {  	_ =	shalt  }
0x5e: {  	_ =	shalt  }
0x5f: {  	_ =	shalt  }
0x60: {  	_ =	shalt  }
0x61: {  	_ =	shalt  }
0x62: {  	_ =	shalt  }
0x63: {  	_ =	shalt  }
0x64: {  	_ =	shalt  }
0x65: {  	_ =	shalt  }
0x66: {  	_ =	shalt  }
0x67: {  	_ =	shalt  }
0x68: {  	_ =	shalt  }
0x69: {  	_ =	shalt  }
0x6a: {  	_ =	shalt  }
0x6b: {  	_ =	shalt  }
0x6c: {  	_ =	shalt  }
0x6d: {  	_ =	shalt  }
0x6e: {  	_ =	shalt  }
0x6f: {  	_ =	shalt  }
0x70: {  	_ =	shalt  }
0x71: {  	_ =	shalt  }
0x72: {  	_ =	shalt  }
0x73: {  	_ =	shalt  }
0x74: {  	_ =	shalt  }
0x75: {  	_ =	shalt  }
0x76: {  	_ =	shalt  }
0x77: {  	_ =	shalt  }
0x78: {  	_ =	shalt  }
0x79: {  	_ =	shalt  }
0x7a: {  	_ =	shalt  }
0x7b: {  	_ =	shalt  }
0x7c: {  	_ =	shalt  }
0x7d: {  	_ =	shalt  }
0x7e: {  	_ =	shalt  }
0x7f: {  	_ =	shalt  }
0x80: {  	_ =	shalt  }
0x81: {  	_ =	shalt  }
0x82: {  	_ =	shalt  }
0x83: {  	_ =	shalt  }
0x84: {  	_ =	shalt  }
0x85: {  	_ =	shalt  }
0x86: {  	_ =	shalt  }
0x87: {  	_ =	shalt  }
.Lfunc_end0:
.L_simem_size_0:
called_computation_lowered:
.L_overlay_start_0:
0x88: {  	s2 =	sld [smem:$0x3FD9]  }
0x89: {  	s3 =	sld [smem:$0x3FFE];
	_ =	sdelay $0x1  }
0x8a: {  	s1 =	srdreg.scid  }
0x8b: {  	s0 =	sand.u32 $0x1, s1  }
0x8c: {  	s16 =	sshll.u32 s0, $0xA;
	s2 =	sadd.s32 s3, s2  }
0x8d: {  	s2 =	sadd.s32 s2, s16  }
0x8e: {  	[smem:$0x3FBD] =	sst s2  }
0x8f: {  	_ = 	snop  }
0x90: {  	(tm) =	ssettm $0x1  }
0x91: {  	s17 =	sld [smem:$0x3FFB];
	_ =	sdelay $0x3  }
0x92: {  	_ =	strace s17  }
0x93: {  	s2 =	sld [smem:$0x3FFC];
	_ =	sdelay $0x3  }
0x94: {  	_ =	strace s2  }
0x95: {  	s2 =	sld [smem:$0x3FFD];
	_ =	sdelay $0x3  }
0x96: {  	_ =	strace s2  }
0x97: {  	_ =	strace $0x8FFFFFFF  }
0x98: {  	s18 =	sld [smem:$0x3FDB];
	_ =	sdelay $0x1  }
0x99: {  	s19 =	simm.s32 $_scs_section_size  }
0x9a: {  	s4 =	simm.s32 $_size__tile_overlayer_lowered;
	s5 =	simm.s32 $_tile_overlayer_lowered  }
0x9b: {  	s22 =	simm.s32 $0x1BFF;
	s21 =	sshll.u32 s5, $0x1;
	s2 =	sadd.s32 s19, s18  }
0x9c: {  	s6 =	simm.s32 $0x0;
	s20 =	sshll.u32 s4, $0x1;
	s4 =	sadd.s32 s21, s2  }
0x9d: {  	[timem:s6], [sflag:s22] =	dma.local [hbm:s4], s20  }
0x9e: {  	_ =	swait.ge [sflag:s22], s20  }
0x9f: {  	s3 =	ssub.s32 $0x0, s20;
	[sflag:s22] =	ssyncset.done $0x0  }
0xa0: {  	[sflag:s22] =	ssyncadd.s32 s3;
	_ =	sdelay $0x1  }
0xa1: {  	s23 =	simm.s32 $0x1B8B  }
0xa2: {  	_ =	swait.ge [sflag:s23], $0x1  }
0xa3: {  	[sflag:s23] =	ssyncset.done $0x0  }
0xa4: {  	s25 =	simm.s32 $0x1B8E;
	s24 =	sld [smem:$0x3FFE];
	[sflag:s23] =	ssyncadd.s32 $0xFFFFFFFF  }
0xa5: {  	s26 =	simm.s32 $execute0_lowered;
	[smem:$0x3FD2] =	sst s25  }
0xa6: {  	s4 =	sshll.u32 s26, $0x1;
	_ =	strace $0x80000046;
	[dreg:$0x1] =	wrdreg $0xFFFFFFFF  }
0xa7: {  	s28 =	simm.s32 $_size_execute0_lowered;
	s2 =	sadd.s32 s2, s4;
	[dreg:$0x0] =	wrdreg $0x0  }
0xa8: {  	s4 =	sshll.u32 s28, $0x1;
	[dreg:$0x2] =	wrdreg s2  }
0xa9: {  	[dreg:$0x3] =	wrdreg s4  }
0xaa: {  	[dreg:$0x4] =	wrdreg $0xC0  }
0xab: {  	_ =	task [dreg:s6], $0x5FFFF  }
0xac: {  	[dreg:$0x1] =	wrdreg $0xFFFFFFFF  }
0xad: {  	[dreg:$0x0] =	wrdreg $0x60  }
0xae: {  	[dreg:$0x2] =	wrdreg s24  }
0xaf: {  	[dreg:$0x3] =	wrdreg $0x2A800  }
0xb0: {  	[dreg:$0x4] =	wrdreg $0x9  }
0xb1: {  	_ =	task.clear_ibuf [dreg:s6], $0x5FFFF;
	_ =	strace $0x90000046  }
0xb2: {  	s29 =	simm.s32 $0x9;
	_ =	strace $0x80000048  }
0xb3: {  	_ =	swait.ge [sflag:s29], $0x1  }
0xb4: {  	[sflag:s29] =	ssyncadd.s32 $0xFFFFFFFF  }
0xb5: {  	_ =	strace $0x90000048  }
0xb6: {  	_ =	sfence  }
0xb7: {  	s30 =	sld [smem:$0x0];
	_ =	sdelay $0x2  }
0xb8: {  	s31 =	sshll.u32 s1, $0xD;
	s1 =	sshrl.u32 s1, $0x2  }
0xb9: {  	s3 =	sand.u32 $0x4000, s31;
	s1 =	sadd.s32 s1, s30  }
0xba: {  	s0 =	sor.u32 s3, s0;
	s1 =	sshll.u32 s1, $0x11  }
0xbb: {  	s0 =	sor.u32 s1, s0  }
0xbc: {  	s0 =	sadd.s32 $0x8F2B, s0  }
0xbd: {  	[sflag:s0] =	ssyncadd.remote.s32 $0x1  }
0xbe: {  	_ =	sfence.sel $0xFFFF  }
0xbf: {  	[dreg:$0x0] =	wrdreg $0xFFFFFFFF;
	(pc) =	sbr.abs _section_cstart, $3  }
0xc0: {  	[dreg:$0x1] =	wrdreg $0xFFFFFFFF  }
0xc1: {  	_ =	task.clear_ibuf [dreg:s6], $0x2FFFF;
	_ =	strace $0x9FFFFFFF  }
0xc2: {  	(tm) =	ssettm $0x7FFFFFFF  }
0xc3: {  	_ =	shalt  }
tec
execute0_lowered:
.L_overlay_start_1:
0x0: {  	(tag) =	ssettag $0x1  }
0x1: {  	s1 =	srdreg.scid;
	s4 =	rddreg [dreg:$0x0]  }
0x2: {  	s0 =	stileid.u32;
	s2 =	rddreg [dreg:$0x1];
	s3 =	simm.s32 $0x0  }
0x3: {  	s10 =	simm.s32 $0x7D;
	s5 =	sand.u32 $0x1, s1;
	s1 =	rddreg [dreg:$0x2]  }
0x4: {  	s13 =	simm.s32 $0x0;
	s6 =	smul.u32 $0x280, s0;
	[smem:$0x7FF] =	sst s3  }
0x5: {  	s11 =	sshll.u32 s0, $0x6;
	s7 =	sshll.u32 s5, $0x4;
	s8 =	smul.u32 $0x2800, s5  }
0x6: {  	_ =	strace $0x80000047;
	s5 =	ssub.s32 $0x2, s5;
	s7 =	sor.u32 s0, s7  }
0x7: {  	s31 =	sshrl.u32 s5, $0x1;
	s7 =	smul.u32 $0x500, s7;
	s8 =	sadd.s32 s6, s8  }
0x8: {  	s11 =	sor.u32 $0x1C01, s11;
	s9 =	ssub.s32 s5, s31;
	s8 =	sshrl.u32 s8, $0x3  }
0x9: {  	s7 =	sadd.s32 s7, s4;
	s8 =	sadd.s32 s8, s4;
	s4 =	sadd.s32 s6, s2  }
0xa: {  	s5 =	sadd.s32 $0x2A00, s7;
	s6 =	sadd.s32 $0xCA00, s8;
	s7 =	smax.u32 s9, $0x1  }
0xb: {  	v0 =	vimm.f32 $0.0e+00;
	v1 =	vimm.f32 $1.000000000e+00;
	s8 =	simm.s32 $0x2800;
	s9 =	simm.s32 $0x1;
	s12 =	sshrl.u32 s4, $0x3  }
.LBB2_1:
0xc: {  	[tilespmem:$0x2800] =	vst v0  }
0xd: {  	[tilespmem:$0x2810] =	vst v0  }
0xe: {  	[tilespmem:$0x2820] =	vst v0  }
0xf: {  	[tilespmem:$0x2830] =	vst v0  }
0x10: {  	[tilespmem:$0x2840] =	vst v0  }
0x11: {  	[tilespmem:$0x2850] =	vst v0  }
0x12: {  	[tilespmem:$0x2860] =	vst v0  }
0x13: {  	[tilespmem:$0x2870] =	vst v0  }
0x14: {  	[tilespmem:$0x2880] =	vst v0  }
0x15: {  	[tilespmem:$0x2890] =	vst v0  }
0x16: {  	[tilespmem:$0x28A0] =	vst v0  }
0x17: {  	[tilespmem:$0x28B0] =	vst v0  }
0x18: {  	[tilespmem:$0x28C0] =	vst v0  }
0x19: {  	[tilespmem:$0x28D0] =	vst v0  }
0x1a: {  	[tilespmem:$0x28E0] =	vst v0  }
0x1b: {  	[tilespmem:$0x28F0] =	vst v0  }
0x1c: {  	[tilespmem:$0x2900] =	vst v0  }
0x1d: {  	[tilespmem:$0x2910] =	vst v0  }
0x1e: {  	[tilespmem:$0x2920] =	vst v0  }
0x1f: {  	[tilespmem:$0x2930] =	vst v0  }
0x20: {  	[tilespmem:$0x2940] =	vst v0  }
0x21: {  	[tilespmem:$0x2950] =	vst v0  }
0x22: {  	[tilespmem:$0x2960] =	vst v0  }
0x23: {  	[tilespmem:$0x2970] =	vst v0  }
0x24: {  	[tilespmem:$0x2980] =	vst v0  }
0x25: {  	[tilespmem:$0x2990] =	vst v0  }
0x26: {  	[tilespmem:$0x29A0] =	vst v0  }
0x27: {  	[tilespmem:$0x29B0] =	vst v0  }
0x28: {  	[tilespmem:$0x29C0] =	vst v0  }
0x29: {  	[tilespmem:$0x29D0] =	vst v0  }
0x2a: {  	[tilespmem:$0x29E0] =	vst v0  }
0x2b: {  	[tilespmem:$0x29F0] =	vst v0  }
0x2c: {  	[tilespmem:$0x2A00] =	vst v0  }
0x2d: {  	[tilespmem:$0x2A10] =	vst v0  }
0x2e: {  	[tilespmem:$0x2A20] =	vst v0  }
0x2f: {  	[tilespmem:$0x2A30] =	vst v0  }
0x30: {  	[tilespmem:$0x2A40] =	vst v0  }
0x31: {  	[tilespmem:$0x2A50] =	vst v0  }
0x32: {  	[tilespmem:$0x2A60] =	vst v0  }
0x33: {  	[tilespmem:$0x2A70] =	vst v0  }
0x34: {  	[spmem:s4] =	stream.linear.scatter [tilespmem:s8], [sflag:$0x1], $0x280, $0x38;
	[tilespmem:$0x2D00] =	vst v63  }
0x35: {  	_ =	swait.ge [sflag:s9], $0x280  }
0x36: {  	[sflag:s9] =	ssyncset.done $0x0  }
0x37: {  	[sflag:s9] =	ssyncadd.s32 $0xFFFFFD80  }
0x38: {  	[tilespmem:$0x2800] =	vst v1  }
0x39: {  	[tilespmem:$0x2810] =	vst v1  }
0x3a: {  	[tilespmem:$0x2820] =	vst v1  }
0x3b: {  	[tilespmem:$0x2830] =	vst v1  }
0x3c: {  	[tilespmem:$0x2840] =	vst v1  }
0x3d: {  	[tilespmem:$0x2850] =	vst v1  }
0x3e: {  	[tilespmem:$0x2860] =	vst v1  }
0x3f: {  	[tilespmem:$0x2870] =	vst v1  }
0x40: {  	[tilespmem:s3], [sflag:$0x1] =	stream.linear.gather [hbm4b:s5+s3], $0x2800, $0x38;
	[tilespmem:$0x2D00] =	vst v63  }
0x41: {  	_ =	swait.ge [sflag:s9], $0x2800  }
0x42: {  	[sflag:s9] =	ssyncset.done $0x0  }
0x43: {  	[sflag:s9] =	ssyncadd.s32 $0xFFFFD800  }
0x44: {  	s14 =	simm.s32 $0x0;
	[bflag:$0x0] =	sbarrier.arrive $0xFFFF  }
0x45: {  	[spmem:s2] =	stream.indirect.scatter.add.f32 [tilespmem:s8], [sflag:$0x1], $0x1, s14, s10, $0xb8;
	[tilespmem:$0x2D00] =	vst v63  }
0x46: {  	_ =	swait.ge [sflag:s9], $0x7D  }
0x47: {  	s14 =	simm.s32 $0x200;
	[sflag:s9] =	ssyncset.done $0x0  }
.LBB2_2:
0x48: {  	s15 =	sshra.s32 s14, $0x2;
	[sflag:s9] =	ssyncadd.s32 $0xFFFFFF83;
	p0 =	sne.s32 s14, $0x9E00  }
0x49: {  	[spmem:s2] =	stream.indirect.scatter.add.f32 [tilespmem:s8], [sflag:$0x1], $0x1, s15, s10, $0xb8;
	[tilespmem:$0x2D00] =	vst v63  }
.Ltmp0:
0x4a: {  	_ = 	snop;
	(pc) =	sbr.rel @p0 .LBB2_2-.Ltmp0, $4  }
0x4b: {  	_ = 	snop  }
0x4c: {  	s14 =	sadd.s32 $0x200, s14  }
0x4d: {  	_ =	swait.ge [sflag:s9], $0x7D  }
0x4e: {  	[sflag:s9] =	ssyncset.done $0x0  }
0x4f: {  	s13 =	sadd.s32 $0x1, s13  }
0x50: {  	[sflag:s9] =	ssyncadd.s32 $0xFFFFFF83;
	p0 =	sne.s32 s13, s7  }
.Ltmp1:
0x51: {  	[bflag:$0x0] =	sbarrier.arrive $0xFFFF;
	(pc) =	sbr.rel @p0 .LBB2_1-.Ltmp1, $4  }
0x52: {  	[hbm:s6], [sflag:s11] =	dma.local [spmem:s12], $0x50  }
0x53: {  	_ =	swait.ge [sflag:s9], $0x50  }
0x54: {  	[sflag:s9] =	ssyncset.done $0x0  }
0x55: {  	[sflag:s9] =	ssyncadd.s32 $0xFFFFFFB0  }
0x56: {  	_ =	sfence.sel $0x180000  }
0x57: {  	[bflag:$0x0] =	sbarrier.arrive $0xFFFF  }
0x58: {  	p0 =	sne.s32 s0, $0x0;
	_ =	strace $0x90000047  }
0x59: {  	s0 =	sadd.s32 @!p0 $0x100000, s1;
	[bflag:$0x2] =	sbarrier.arrive $0xFFFF  }
0x5a: {  	[sflag:s0] =	ssyncadd.tile.s32 @!p0 $0x1;
	_ =	shalt  }
.Lfunc_end2:
_tile_overlayer_lowered:
.L_overlay_start_2:
0x5b: {  	(tag) =	ssettag $0x2  }
0x5c: {  	s0 =	rddreg [dreg:$0x0];
	s2 =	stileid.u32  }
0x5d: {  	s1 =	rddreg [dreg:$0x1];
	p0 =	sne.s32 s2, $0x0  }
0x5e: {  	s3 =	rddreg [dreg:$0x2];
	[bflag:$0x3] =	sbarrier.arrive $0xFFFF;
	s2 =	simm.s32 @!p0 $0x1C01  }
0x5f: {  	[timem:s3], [sflag:s2] =	dma.local @!p0 [hbm:s0], s1  }
0x60: {  	s0 =	simm.s32 @!p0 $0x1  }
0x61: {  	_ =	swait.ge @!p0 [sflag:s0], s1  }
0x62: {  	s1 =	ssub.s32 @!p0 $0x0, s1;
	[sflag:s0] =	ssyncset.done @!p0 $0x0  }
0x63: {  	[sflag:s0] =	ssyncadd.s32 @!p0 s1  }
0x64: {  	[bflag:$0x3] =	sbarrier.arrive $0xFFFF  }
0x65: {  	_ =	shalt  }

</sc_bundles>
